<compile_context>
chip_gen: v7x
topology: tpu7x:2x2x1
jax: 0.10.2.dev20260603
libtpu: 0.0.44.dev20260713+nightly
codegen_flags: <defaults>
</compile_context>

<pallas_src>
import functools

import jax
import jax.numpy as jnp
from jax import lax
from jax.experimental import pallas as pl
from jax.experimental.pallas import tpu as pltpu
from jax.experimental.pallas import tpu_sc as plsc

NC = 2
NS = 16
NW = NC * NS

B = 4096
H = 200
D = 32
TOTAL = B * H
PER_TILE = TOTAL // NW
CHUNK = 128
NCHUNK = PER_TILE // CHUNK
K = 5
G = NCHUNK // K
NSLOT = 4

_mesh = plsc.VectorSubcoreMesh(
    core_axis_name="c", subcore_axis_name="s", num_cores=NC, num_subcores=NS)


@functools.partial(
    pl.kernel,
    out_type=jax.ShapeDtypeStruct((NW, NCHUNK, CHUNK, D), jnp.float32),
    mesh=_mesh,
    scratch_types=[
        pltpu.VMEM((NCHUNK, CHUNK), jnp.int32),
        pltpu.VMEM((NSLOT, K, CHUNK, D), jnp.float32),
        pltpu.SemaphoreType.DMA,
        pltpu.SemaphoreType.DMA,
        pltpu.SemaphoreType.DMA,
        pltpu.SemaphoreType.DMA,
        pltpu.SemaphoreType.DMA,
        pltpu.SemaphoreType.DMA,
        pltpu.SemaphoreType.DMA,
    ],
    compiler_params=pltpu.CompilerParams(use_tc_tiling_on_sc=False),
)
def _gather_kernel(idx_hbm, table_hbm, out_hbm, idx_v, rows_v, gsem0, gsem1,
                   gsem2, gsem3, osem0, osem1, ssem):
    wid = lax.axis_index("s") * NC + lax.axis_index("c")
    PRE = 2 * K
    pltpu.sync_copy(idx_hbm.at[wid, pl.ds(0, PRE)], idx_v.at[pl.ds(0, PRE)])
    pltpu.async_copy(
        idx_hbm.at[wid, pl.ds(PRE, NCHUNK - PRE)],
        idx_v.at[pl.ds(PRE, NCHUNK - PRE)], ssem)

    gsems = (gsem0, gsem1, gsem2, gsem3)
    osems = (osem0, osem1)

    def fire_gathers(g, s):
        for b in range(K):
            pltpu.async_copy(
                table_hbm.at[idx_v.at[g * K + b]], rows_v.at[s, b], gsems[s])

    def drain_gathers(s):
        pltpu.make_async_copy(
            out_hbm.at[0, pl.ds(0, K)], rows_v.at[s], gsems[s]).wait()

    def wait_out(q):
        pltpu.make_async_copy(
            rows_v.at[0], out_hbm.at[0, pl.ds(0, K)], osems[q]).wait()

    def step(g, s):
        drain_gathers(s)
        @pl.when(g >= 2)
        def _():
            wait_out(s % 2)

        pltpu.async_copy(
            rows_v.at[s], out_hbm.at[wid, pl.ds(g * K, K)], osems[s % 2])

        @pl.when(g + 2 < G)
        def _():
            fire_gathers(g + 2, (s + 2) % NSLOT)

    fire_gathers(0, 0)
    fire_gathers(1, 1)
    pltpu.make_async_copy(
        idx_hbm.at[wid, pl.ds(PRE, NCHUNK - PRE)],
        idx_v.at[pl.ds(PRE, NCHUNK - PRE)], ssem).wait()

    def quad(i, carry):
        g = 4 * i
        step(g, 0)
        step(g + 1, 1)
        step(g + 2, 2)
        step(g + 3, 3)
        return carry

    lax.fori_loop(0, G // 4, quad, 0)
    wait_out(0)
    wait_out(1)


def kernel(sequences, sequence_legths, table):
    idx = sequences.reshape(NW, NCHUNK, CHUNK).astype(jnp.int32)
    out = _gather_kernel(idx, table)
    return out.reshape(B, H, D)

# --- scband reference (transcript-rebuilt; emitter-appended) ---
"""Pipeline reference for scband-bowencoder-17351667875913 (READ-ONLY COPY).

The authoritative reference and input builder live on the scoring server;
editing this copy changes nothing except your own understanding.
"""

import jax, jax.numpy as jnp
import numpy as np

NUM_EMBEDDINGS = 1000000
EMBEDDING_DIM = 32
BATCH = 4096
HIST_LEN = 200

def setup_inputs(seed: int = 0) -> dict:
    key = jax.random.key(seed)
    k1, k2, k3 = jax.random.split(key, 3)
    sequences = jax.random.randint(k1, (BATCH, HIST_LEN), 0, NUM_EMBEDDINGS, dtype=jnp.int64 if jax.config.jax_enable_x64 else jnp.int32)
    sequence_legths = jax.random.randint(k2, (BATCH,), 0, HIST_LEN, dtype=jnp.int64 if jax.config.jax_enable_x64 else jnp.int32)
    table = jax.random.normal(k3, (NUM_EMBEDDINGS, EMBEDDING_DIM), dtype=jnp.float32) * 0.02
    return {"sequences": sequences, "sequence_legths": sequence_legths, "table": table}

def reference(sequences, sequence_legths, table):
    # BOWEncoder.forward: return self.embeddings(sequences)
    # nn.Embedding lookup -> row gather from table
    return jnp.take(table, sequences, axis=0)

if __name__ == "__main__":
    import jax
    _d = setup_inputs()
    print(jax.jit(kernel)(*tuple(_d.values())))

</pallas_src>

<mosaic_0001>
#map = affine_map<(d0, d1) -> (0, 0, 0)>
#map1 = affine_map<(d0, d1) -> (0, 0)>
#map2 = affine_map<(d0, d1) -> (0, 0, 0, 0)>
module attributes {stable_mosaic.version = 14 : i64} {
  func.func @_gather_kernel(%arg0: i32, %arg1: i32, %arg2: memref<32x200x128xi32, #tpu.memory_space<hbm>>, %arg3: memref<1000000x32xf32, #tpu.memory_space<hbm>>, %arg4: memref<32x200x128x32xf32, #tpu.memory_space<hbm>>, %arg5: memref<200x128xi32, #tpu.memory_space<vmem>>, %arg6: memref<4x5x128x32xf32, #tpu.memory_space<vmem>>, %arg7: memref<!tpu.dma_semaphore, #tpu.memory_space<semaphore_mem>>, %arg8: memref<!tpu.dma_semaphore, #tpu.memory_space<semaphore_mem>>, %arg9: memref<!tpu.dma_semaphore, #tpu.memory_space<semaphore_mem>>, %arg10: memref<!tpu.dma_semaphore, #tpu.memory_space<semaphore_mem>>, %arg11: memref<!tpu.dma_semaphore, #tpu.memory_space<semaphore_mem>>, %arg12: memref<!tpu.dma_semaphore, #tpu.memory_space<semaphore_mem>>, %arg13: memref<!tpu.dma_semaphore, #tpu.memory_space<semaphore_mem>>) attributes {dimension_semantics = [#tpu.dimension_semantics<core_parallel>, #tpu.dimension_semantics<subcore_parallel>], iteration_bounds = array<i64: 2, 16>, scalar_prefetch = 0 : i64, scratch_operands = 9 : i64, tpu.core_type = #tpu.core_type<sc_vector_subcore>, window_params = [{transform_indices = #map}, {transform_indices = #map1}, {transform_indices = #map2}]} {
    %mul3A = arith.constant 2 : i32
    %mul3A_0 = arith.muli %arg1, %mul3A : i32
    %add3A = arith.addi %mul3A_0, %arg0 : i32
    "tpu.region"() ({
      %run_scoped3A = tpu.sem_alloc : memref<!tpu.dma_semaphore, #tpu.memory_space<semaphore_mem>>
      %dma_start3A_206 = arith.constant 0 : i32
      %dma_start3A_207 = arith.constant 0 : i32
      %dma_start3A_208 = tpu.memref_slice %arg5[%dma_start3A_206, %dma_start3A_207] : memref<200x128xi32, #tpu.memory_space<vmem>> -> memref<10x128xi32, #tpu.memory_space<vmem>>
      %dma_start3A_209 = arith.constant 0 : i32
      %dma_start3A_210 = arith.constant 0 : i32
      %dma_start3A_211 = tpu.memref_slice %arg2[%add3A, %dma_start3A_209, %dma_start3A_210] : memref<32x200x128xi32, #tpu.memory_space<hbm>> -> memref<1x10x128xi32, #tpu.memory_space<hbm>>
      %dma_start3A_212 = tpu.memref_squeeze %dma_start3A_211 : memref<1x10x128xi32, #tpu.memory_space<hbm>> -> memref<10x128xi32, #tpu.memory_space<hbm>>
      %dma_start3A_213 = arith.constant 0 : i32
      %dma_start3A_214 = arith.constant 0 : i32
      %dma_start3A_215 = tpu.memref_slice %arg5[%dma_start3A_213, %dma_start3A_214] : memref<200x128xi32, #tpu.memory_space<vmem>> -> memref<10x128xi32, #tpu.memory_space<vmem>>
      %dma_start3A_216 = arith.constant 0 : i32
      %dma_start3A_217 = arith.constant 0 : i32
      %dma_start3A_218 = tpu.memref_slice %arg2[%add3A, %dma_start3A_216, %dma_start3A_217] : memref<32x200x128xi32, #tpu.memory_space<hbm>> -> memref<1x10x128xi32, #tpu.memory_space<hbm>>
      %dma_start3A_219 = tpu.memref_squeeze %dma_start3A_218 : memref<1x10x128xi32, #tpu.memory_space<hbm>> -> memref<10x128xi32, #tpu.memory_space<hbm>>
      tpu.enqueue_dma source(%dma_start3A_219 : memref<10x128xi32, #tpu.memory_space<hbm>>) target(%dma_start3A_215 : memref<10x128xi32, #tpu.memory_space<vmem>>) target_semaphore(%run_scoped3A : memref<!tpu.dma_semaphore, #tpu.memory_space<semaphore_mem>>)
      %dma_wait3A_220 = arith.constant 0 : i32
      %dma_wait3A_221 = arith.constant 0 : i32
      %dma_wait3A_222 = tpu.memref_slice %arg5[%dma_wait3A_220, %dma_wait3A_221] : memref<200x128xi32, #tpu.memory_space<vmem>> -> memref<10x128xi32, #tpu.memory_space<vmem>>
      %dma_wait3A_223 = arith.constant 0 : i32
      %dma_wait3A_224 = arith.constant 0 : i32
      %dma_wait3A_225 = tpu.memref_slice %arg2[%add3A, %dma_wait3A_223, %dma_wait3A_224] : memref<32x200x128xi32, #tpu.memory_space<hbm>> -> memref<1x10x128xi32, #tpu.memory_space<hbm>>
      %dma_wait3A_226 = tpu.memref_squeeze %dma_wait3A_225 : memref<1x10x128xi32, #tpu.memory_space<hbm>> -> memref<10x128xi32, #tpu.memory_space<hbm>>
      %dma_wait3A_227 = arith.constant 0 : i32
      %dma_wait3A_228 = arith.constant 0 : i32
      %dma_wait3A_229 = tpu.memref_slice %arg5[%dma_wait3A_227, %dma_wait3A_228] : memref<200x128xi32, #tpu.memory_space<vmem>> -> memref<10x128xi32, #tpu.memory_space<vmem>>
      %dma_wait3A_230 = arith.constant 0 : i32
      %dma_wait3A_231 = arith.constant 0 : i32
      %dma_wait3A_232 = tpu.memref_slice %arg2[%add3A, %dma_wait3A_230, %dma_wait3A_231] : memref<32x200x128xi32, #tpu.memory_space<hbm>> -> memref<1x10x128xi32, #tpu.memory_space<hbm>>
      %dma_wait3A_233 = tpu.memref_squeeze %dma_wait3A_232 : memref<1x10x128xi32, #tpu.memory_space<hbm>> -> memref<10x128xi32, #tpu.memory_space<hbm>>
      tpu.wait_dma2 semaphore(%run_scoped3A : memref<!tpu.dma_semaphore, #tpu.memory_space<semaphore_mem>>) src(%dma_wait3A_233 : memref<10x128xi32, #tpu.memory_space<hbm>>) dst(%dma_wait3A_229 : memref<10x128xi32, #tpu.memory_space<vmem>>)
      tpu.yield
    }) : () -> ()
    %dma_start3A = arith.constant 10 : i32
    %dma_start3A_1 = arith.constant 0 : i32
    %dma_start3A_2 = tpu.memref_slice %arg5[%dma_start3A, %dma_start3A_1] : memref<200x128xi32, #tpu.memory_space<vmem>> -> memref<190x128xi32, #tpu.memory_space<vmem>>
    %dma_start3A_3 = arith.constant 10 : i32
    %dma_start3A_4 = arith.constant 0 : i32
    %dma_start3A_5 = tpu.memref_slice %arg2[%add3A, %dma_start3A_3, %dma_start3A_4] : memref<32x200x128xi32, #tpu.memory_space<hbm>> -> memref<1x190x128xi32, #tpu.memory_space<hbm>>
    %dma_start3A_6 = tpu.memref_squeeze %dma_start3A_5 : memref<1x190x128xi32, #tpu.memory_space<hbm>> -> memref<190x128xi32, #tpu.memory_space<hbm>>
    %dma_start3A_7 = arith.constant 10 : i32
    %dma_start3A_8 = arith.constant 0 : i32
    %dma_start3A_9 = tpu.memref_slice %arg5[%dma_start3A_7, %dma_start3A_8] : memref<200x128xi32, #tpu.memory_space<vmem>> -> memref<190x128xi32, #tpu.memory_space<vmem>>
    %dma_start3A_10 = arith.constant 10 : i32
    %dma_start3A_11 = arith.constant 0 : i32
    %dma_start3A_12 = tpu.memref_slice %arg2[%add3A, %dma_start3A_10, %dma_start3A_11] : memref<32x200x128xi32, #tpu.memory_space<hbm>> -> memref<1x190x128xi32, #tpu.memory_space<hbm>>
    %dma_start3A_13 = tpu.memref_squeeze %dma_start3A_12 : memref<1x190x128xi32, #tpu.memory_space<hbm>> -> memref<190x128xi32, #tpu.memory_space<hbm>>
    tpu.enqueue_dma source(%dma_start3A_13 : memref<190x128xi32, #tpu.memory_space<hbm>>) target(%dma_start3A_9 : memref<190x128xi32, #tpu.memory_space<vmem>>) target_semaphore(%arg13 : memref<!tpu.dma_semaphore, #tpu.memory_space<semaphore_mem>>)
    %dma_start3A_14 = arith.constant 0 : i32
    %dma_start3A_15 = arith.constant 0 : i32
    %dma_start3A_16 = arith.constant 0 : i32
    %dma_start3A_17 = arith.constant 0 : i32
    %dma_start3A_18 = arith.constant 0 : i32
    %dma_start3A_19 = tpu.memref_slice %arg6[%dma_start3A_15, %dma_start3A_16, %dma_start3A_17, %dma_start3A_18] : memref<4x5x128x32xf32, #tpu.memory_space<vmem>> -> memref<1x1x128x32xf32, #tpu.memory_space<vmem>>
    %dma_start3A_20 = tpu.memref_squeeze %dma_start3A_19 : memref<1x1x128x32xf32, #tpu.memory_space<vmem>> -> memref<128x32xf32, #tpu.memory_space<vmem>>
    %dma_start3A_21 = arith.constant 0 : i32
    %dma_start3A_22 = tpu.memref_slice %arg5[%dma_start3A_14, %dma_start3A_21] : memref<200x128xi32, #tpu.memory_space<vmem>> -> memref<1x128xi32, #tpu.memory_space<vmem>>
    %dma_start3A_23 = tpu.memref_squeeze %dma_start3A_22 : memref<1x128xi32, #tpu.memory_space<vmem>> -> memref<128xi32, #tpu.memory_space<vmem>>
    %dma_start3A_24 = arith.constant 0 : i32
    %dma_start3A_25 = arith.constant 0 : i32
    %dma_start3A_26 = tpu.memref_slice %arg3[%dma_start3A_24, %dma_start3A_25] : memref<1000000x32xf32, #tpu.memory_space<hbm>> -> memref<1000000x32xf32, #tpu.memory_space<hbm>>
    tpu.enqueue_indirect_dma source(%dma_start3A_26 : memref<1000000x32xf32, #tpu.memory_space<hbm>>) target(%dma_start3A_20 : memref<128x32xf32, #tpu.memory_space<vmem>>) offsets(%dma_start3A_23 : memref<128xi32, #tpu.memory_space<vmem>>) semaphore(%arg7 : memref<!tpu.dma_semaphore, #tpu.memory_space<semaphore_mem>>)
    %dma_start3A_27 = arith.constant 1 : i32
    %dma_start3A_28 = arith.constant 0 : i32
    %dma_start3A_29 = arith.constant 1 : i32
    %dma_start3A_30 = arith.constant 0 : i32
    %dma_start3A_31 = arith.constant 0 : i32
    %dma_start3A_32 = tpu.memref_slice %arg6[%dma_start3A_28, %dma_start3A_29, %dma_start3A_30, %dma_start3A_31] : memref<4x5x128x32xf32, #tpu.memory_space<vmem>> -> memref<1x1x128x32xf32, #tpu.memory_space<vmem>>
    %dma_start3A_33 = tpu.memref_squeeze %dma_start3A_32 : memref<1x1x128x32xf32, #tpu.memory_space<vmem>> -> memref<128x32xf32, #tpu.memory_space<vmem>>
    %dma_start3A_34 = arith.constant 0 : i32
    %dma_start3A_35 = tpu.memref_slice %arg5[%dma_start3A_27, %dma_start3A_34] : memref<200x128xi32, #tpu.memory_space<vmem>> -> memref<1x128xi32, #tpu.memory_space<vmem>>
    %dma_start3A_36 = tpu.memref_squeeze %dma_start3A_35 : memref<1x128xi32, #tpu.memory_space<vmem>> -> memref<128xi32, #tpu.memory_space<vmem>>
    %dma_start3A_37 = arith.constant 0 : i32
    %dma_start3A_38 = arith.constant 0 : i32
    %dma_start3A_39 = tpu.memref_slice %arg3[%dma_start3A_37, %dma_start3A_38] : memref<1000000x32xf32, #tpu.memory_space<hbm>> -> memref<1000000x32xf32, #tpu.memory_space<hbm>>
    tpu.enqueue_indirect_dma source(%dma_start3A_39 : memref<1000000x32xf32, #tpu.memory_space<hbm>>) target(%dma_start3A_33 : memref<128x32xf32, #tpu.memory_space<vmem>>) offsets(%dma_start3A_36 : memref<128xi32, #tpu.memory_space<vmem>>) semaphore(%arg7 : memref<!tpu.dma_semaphore, #tpu.memory_space<semaphore_mem>>)
    %dma_start3A_40 = arith.constant 2 : i32
    %dma_start3A_41 = arith.constant 0 : i32
    %dma_start3A_42 = arith.constant 2 : i32
    %dma_start3A_43 = arith.constant 0 : i32
    %dma_start3A_44 = arith.constant 0 : i32
    %dma_start3A_45 = tpu.memref_slice %arg6[%dma_start3A_41, %dma_start3A_42, %dma_start3A_43, %dma_start3A_44] : memref<4x5x128x32xf32, #tpu.memory_space<vmem>> -> memref<1x1x128x32xf32, #tpu.memory_space<vmem>>
    %dma_start3A_46 = tpu.memref_squeeze %dma_start3A_45 : memref<1x1x128x32xf32, #tpu.memory_space<vmem>> -> memref<128x32xf32, #tpu.memory_space<vmem>>
    %dma_start3A_47 = arith.constant 0 : i32
    %dma_start3A_48 = tpu.memref_slice %arg5[%dma_start3A_40, %dma_start3A_47] : memref<200x128xi32, #tpu.memory_space<vmem>> -> memref<1x128xi32, #tpu.memory_space<vmem>>
    %dma_start3A_49 = tpu.memref_squeeze %dma_start3A_48 : memref<1x128xi32, #tpu.memory_space<vmem>> -> memref<128xi32, #tpu.memory_space<vmem>>
    %dma_start3A_50 = arith.constant 0 : i32
    %dma_start3A_51 = arith.constant 0 : i32
    %dma_start3A_52 = tpu.memref_slice %arg3[%dma_start3A_50, %dma_start3A_51] : memref<1000000x32xf32, #tpu.memory_space<hbm>> -> memref<1000000x32xf32, #tpu.memory_space<hbm>>
    tpu.enqueue_indirect_dma source(%dma_start3A_52 : memref<1000000x32xf32, #tpu.memory_space<hbm>>) target(%dma_start3A_46 : memref<128x32xf32, #tpu.memory_space<vmem>>) offsets(%dma_start3A_49 : memref<128xi32, #tpu.memory_space<vmem>>) semaphore(%arg7 : memref<!tpu.dma_semaphore, #tpu.memory_space<semaphore_mem>>)
    %dma_start3A_53 = arith.constant 3 : i32
    %dma_start3A_54 = arith.constant 0 : i32
    %dma_start3A_55 = arith.constant 3 : i32
    %dma_start3A_56 = arith.constant 0 : i32
    %dma_start3A_57 = arith.constant 0 : i32
    %dma_start3A_58 = tpu.memref_slice %arg6[%dma_start3A_54, %dma_start3A_55, %dma_start3A_56, %dma_start3A_57] : memref<4x5x128x32xf32, #tpu.memory_space<vmem>> -> memref<1x1x128x32xf32, #tpu.memory_space<vmem>>
    %dma_start3A_59 = tpu.memref_squeeze %dma_start3A_58 : memref<1x1x128x32xf32, #tpu.memory_space<vmem>> -> memref<128x32xf32, #tpu.memory_space<vmem>>
    %dma_start3A_60 = arith.constant 0 : i32
    %dma_start3A_61 = tpu.memref_slice %arg5[%dma_start3A_53, %dma_start3A_60] : memref<200x128xi32, #tpu.memory_space<vmem>> -> memref<1x128xi32, #tpu.memory_space<vmem>>
    %dma_start3A_62 = tpu.memref_squeeze %dma_start3A_61 : memref<1x128xi32, #tpu.memory_space<vmem>> -> memref<128xi32, #tpu.memory_space<vmem>>
    %dma_start3A_63 = arith.constant 0 : i32
    %dma_start3A_64 = arith.constant 0 : i32
    %dma_start3A_65 = tpu.memref_slice %arg3[%dma_start3A_63, %dma_start3A_64] : memref<1000000x32xf32, #tpu.memory_space<hbm>> -> memref<1000000x32xf32, #tpu.memory_space<hbm>>
    tpu.enqueue_indirect_dma source(%dma_start3A_65 : memref<1000000x32xf32, #tpu.memory_space<hbm>>) target(%dma_start3A_59 : memref<128x32xf32, #tpu.memory_space<vmem>>) offsets(%dma_start3A_62 : memref<128xi32, #tpu.memory_space<vmem>>) semaphore(%arg7 : memref<!tpu.dma_semaphore, #tpu.memory_space<semaphore_mem>>)
    %dma_start3A_66 = arith.constant 4 : i32
    %dma_start3A_67 = arith.constant 0 : i32
    %dma_start3A_68 = arith.constant 4 : i32
    %dma_start3A_69 = arith.constant 0 : i32
    %dma_start3A_70 = arith.constant 0 : i32
    %dma_start3A_71 = tpu.memref_slice %arg6[%dma_start3A_67, %dma_start3A_68, %dma_start3A_69, %dma_start3A_70] : memref<4x5x128x32xf32, #tpu.memory_space<vmem>> -> memref<1x1x128x32xf32, #tpu.memory_space<vmem>>
    %dma_start3A_72 = tpu.memref_squeeze %dma_start3A_71 : memref<1x1x128x32xf32, #tpu.memory_space<vmem>> -> memref<128x32xf32, #tpu.memory_space<vmem>>
    %dma_start3A_73 = arith.constant 0 : i32
    %dma_start3A_74 = tpu.memref_slice %arg5[%dma_start3A_66, %dma_start3A_73] : memref<200x128xi32, #tpu.memory_space<vmem>> -> memref<1x128xi32, #tpu.memory_space<vmem>>
    %dma_start3A_75 = tpu.memref_squeeze %dma_start3A_74 : memref<1x128xi32, #tpu.memory_space<vmem>> -> memref<128xi32, #tpu.memory_space<vmem>>
    %dma_start3A_76 = arith.constant 0 : i32
    %dma_start3A_77 = arith.constant 0 : i32
    %dma_start3A_78 = tpu.memref_slice %arg3[%dma_start3A_76, %dma_start3A_77] : memref<1000000x32xf32, #tpu.memory_space<hbm>> -> memref<1000000x32xf32, #tpu.memory_space<hbm>>
    tpu.enqueue_indirect_dma source(%dma_start3A_78 : memref<1000000x32xf32, #tpu.memory_space<hbm>>) target(%dma_start3A_72 : memref<128x32xf32, #tpu.memory_space<vmem>>) offsets(%dma_start3A_75 : memref<128xi32, #tpu.memory_space<vmem>>) semaphore(%arg7 : memref<!tpu.dma_semaphore, #tpu.memory_space<semaphore_mem>>)
    %dma_start3A_79 = arith.constant 5 : i32
    %dma_start3A_80 = arith.constant 1 : i32
    %dma_start3A_81 = arith.constant 0 : i32
    %dma_start3A_82 = arith.constant 0 : i32
    %dma_start3A_83 = arith.constant 0 : i32
    %dma_start3A_84 = tpu.memref_slice %arg6[%dma_start3A_80, %dma_start3A_81, %dma_start3A_82, %dma_start3A_83] : memref<4x5x128x32xf32, #tpu.memory_space<vmem>> -> memref<1x1x128x32xf32, #tpu.memory_space<vmem>>
    %dma_start3A_85 = tpu.memref_squeeze %dma_start3A_84 : memref<1x1x128x32xf32, #tpu.memory_space<vmem>> -> memref<128x32xf32, #tpu.memory_space<vmem>>
    %dma_start3A_86 = arith.constant 0 : i32
    %dma_start3A_87 = tpu.memref_slice %arg5[%dma_start3A_79, %dma_start3A_86] : memref<200x128xi32, #tpu.memory_space<vmem>> -> memref<1x128xi32, #tpu.memory_space<vmem>>
    %dma_start3A_88 = tpu.memref_squeeze %dma_start3A_87 : memref<1x128xi32, #tpu.memory_space<vmem>> -> memref<128xi32, #tpu.memory_space<vmem>>
    %dma_start3A_89 = arith.constant 0 : i32
    %dma_start3A_90 = arith.constant 0 : i32
    %dma_start3A_91 = tpu.memref_slice %arg3[%dma_start3A_89, %dma_start3A_90] : memref<1000000x32xf32, #tpu.memory_space<hbm>> -> memref<1000000x32xf32, #tpu.memory_space<hbm>>
    tpu.enqueue_indirect_dma source(%dma_start3A_91 : memref<1000000x32xf32, #tpu.memory_space<hbm>>) target(%dma_start3A_85 : memref<128x32xf32, #tpu.memory_space<vmem>>) offsets(%dma_start3A_88 : memref<128xi32, #tpu.memory_space<vmem>>) semaphore(%arg8 : memref<!tpu.dma_semaphore, #tpu.memory_space<semaphore_mem>>)
    %dma_start3A_92 = arith.constant 6 : i32
    %dma_start3A_93 = arith.constant 1 : i32
    %dma_start3A_94 = arith.constant 1 : i32
    %dma_start3A_95 = arith.constant 0 : i32
    %dma_start3A_96 = arith.constant 0 : i32
    %dma_start3A_97 = tpu.memref_slice %arg6[%dma_start3A_93, %dma_start3A_94, %dma_start3A_95, %dma_start3A_96] : memref<4x5x128x32xf32, #tpu.memory_space<vmem>> -> memref<1x1x128x32xf32, #tpu.memory_space<vmem>>
    %dma_start3A_98 = tpu.memref_squeeze %dma_start3A_97 : memref<1x1x128x32xf32, #tpu.memory_space<vmem>> -> memref<128x32xf32, #tpu.memory_space<vmem>>
    %dma_start3A_99 = arith.constant 0 : i32
    %dma_start3A_100 = tpu.memref_slice %arg5[%dma_start3A_92, %dma_start3A_99] : memref<200x128xi32, #tpu.memory_space<vmem>> -> memref<1x128xi32, #tpu.memory_space<vmem>>
    %dma_start3A_101 = tpu.memref_squeeze %dma_start3A_100 : memref<1x128xi32, #tpu.memory_space<vmem>> -> memref<128xi32, #tpu.memory_space<vmem>>
    %dma_start3A_102 = arith.constant 0 : i32
    %dma_start3A_103 = arith.constant 0 : i32
    %dma_start3A_104 = tpu.memref_slice %arg3[%dma_start3A_102, %dma_start3A_103] : memref<1000000x32xf32, #tpu.memory_space<hbm>> -> memref<1000000x32xf32, #tpu.memory_space<hbm>>
    tpu.enqueue_indirect_dma source(%dma_start3A_104 : memref<1000000x32xf32, #tpu.memory_space<hbm>>) target(%dma_start3A_98 : memref<128x32xf32, #tpu.memory_space<vmem>>) offsets(%dma_start3A_101 : memref<128xi32, #tpu.memory_space<vmem>>) semaphore(%arg8 : memref<!tpu.dma_semaphore, #tpu.memory_space<semaphore_mem>>)
    %dma_start3A_105 = arith.constant 7 : i32
    %dma_start3A_106 = arith.constant 1 : i32
    %dma_start3A_107 = arith.constant 2 : i32
    %dma_start3A_108 = arith.constant 0 : i32
    %dma_start3A_109 = arith.constant 0 : i32
    %dma_start3A_110 = tpu.memref_slice %arg6[%dma_start3A_106, %dma_start3A_107, %dma_start3A_108, %dma_start3A_109] : memref<4x5x128x32xf32, #tpu.memory_space<vmem>> -> memref<1x1x128x32xf32, #tpu.memory_space<vmem>>
    %dma_start3A_111 = tpu.memref_squeeze %dma_start3A_110 : memref<1x1x128x32xf32, #tpu.memory_space<vmem>> -> memref<128x32xf32, #tpu.memory_space<vmem>>
    %dma_start3A_112 = arith.constant 0 : i32
    %dma_start3A_113 = tpu.memref_slice %arg5[%dma_start3A_105, %dma_start3A_112] : memref<200x128xi32, #tpu.memory_space<vmem>> -> memref<1x128xi32, #tpu.memory_space<vmem>>
    %dma_start3A_114 = tpu.memref_squeeze %dma_start3A_113 : memref<1x128xi32, #tpu.memory_space<vmem>> -> memref<128xi32, #tpu.memory_space<vmem>>
    %dma_start3A_115 = arith.constant 0 : i32
    %dma_start3A_116 = arith.constant 0 : i32
    %dma_start3A_117 = tpu.memref_slice %arg3[%dma_start3A_115, %dma_start3A_116] : memref<1000000x32xf32, #tpu.memory_space<hbm>> -> memref<1000000x32xf32, #tpu.memory_space<hbm>>
    tpu.enqueue_indirect_dma source(%dma_start3A_117 : memref<1000000x32xf32, #tpu.memory_space<hbm>>) target(%dma_start3A_111 : memref<128x32xf32, #tpu.memory_space<vmem>>) offsets(%dma_start3A_114 : memref<128xi32, #tpu.memory_space<vmem>>) semaphore(%arg8 : memref<!tpu.dma_semaphore, #tpu.memory_space<semaphore_mem>>)
    %dma_start3A_118 = arith.constant 8 : i32
    %dma_start3A_119 = arith.constant 1 : i32
    %dma_start3A_120 = arith.constant 3 : i32
    %dma_start3A_121 = arith.constant 0 : i32
    %dma_start3A_122 = arith.constant 0 : i32
    %dma_start3A_123 = tpu.memref_slice %arg6[%dma_start3A_119, %dma_start3A_120, %dma_start3A_121, %dma_start3A_122] : memref<4x5x128x32xf32, #tpu.memory_space<vmem>> -> memref<1x1x128x32xf32, #tpu.memory_space<vmem>>
    %dma_start3A_124 = tpu.memref_squeeze %dma_start3A_123 : memref<1x1x128x32xf32, #tpu.memory_space<vmem>> -> memref<128x32xf32, #tpu.memory_space<vmem>>
    %dma_start3A_125 = arith.constant 0 : i32
    %dma_start3A_126 = tpu.memref_slice %arg5[%dma_start3A_118, %dma_start3A_125] : memref<200x128xi32, #tpu.memory_space<vmem>> -> memref<1x128xi32, #tpu.memory_space<vmem>>
    %dma_start3A_127 = tpu.memref_squeeze %dma_start3A_126 : memref<1x128xi32, #tpu.memory_space<vmem>> -> memref<128xi32, #tpu.memory_space<vmem>>
    %dma_start3A_128 = arith.constant 0 : i32
    %dma_start3A_129 = arith.constant 0 : i32
    %dma_start3A_130 = tpu.memref_slice %arg3[%dma_start3A_128, %dma_start3A_129] : memref<1000000x32xf32, #tpu.memory_space<hbm>> -> memref<1000000x32xf32, #tpu.memory_space<hbm>>
    tpu.enqueue_indirect_dma source(%dma_start3A_130 : memref<1000000x32xf32, #tpu.memory_space<hbm>>) target(%dma_start3A_124 : memref<128x32xf32, #tpu.memory_space<vmem>>) offsets(%dma_start3A_127 : memref<128xi32, #tpu.memory_space<vmem>>) semaphore(%arg8 : memref<!tpu.dma_semaphore, #tpu.memory_space<semaphore_mem>>)
    %dma_start3A_131 = arith.constant 9 : i32
    %dma_start3A_132 = arith.constant 1 : i32
    %dma_start3A_133 = arith.constant 4 : i32
    %dma_start3A_134 = arith.constant 0 : i32
    %dma_start3A_135 = arith.constant 0 : i32
    %dma_start3A_136 = tpu.memref_slice %arg6[%dma_start3A_132, %dma_start3A_133, %dma_start3A_134, %dma_start3A_135] : memref<4x5x128x32xf32, #tpu.memory_space<vmem>> -> memref<1x1x128x32xf32, #tpu.memory_space<vmem>>
    %dma_start3A_137 = tpu.memref_squeeze %dma_start3A_136 : memref<1x1x128x32xf32, #tpu.memory_space<vmem>> -> memref<128x32xf32, #tpu.memory_space<vmem>>
    %dma_start3A_138 = arith.constant 0 : i32
    %dma_start3A_139 = tpu.memref_slice %arg5[%dma_start3A_131, %dma_start3A_138] : memref<200x128xi32, #tpu.memory_space<vmem>> -> memref<1x128xi32, #tpu.memory_space<vmem>>
    %dma_start3A_140 = tpu.memref_squeeze %dma_start3A_139 : memref<1x128xi32, #tpu.memory_space<vmem>> -> memref<128xi32, #tpu.memory_space<vmem>>
    %dma_start3A_141 = arith.constant 0 : i32
    %dma_start3A_142 = arith.constant 0 : i32
    %dma_start3A_143 = tpu.memref_slice %arg3[%dma_start3A_141, %dma_start3A_142] : memref<1000000x32xf32, #tpu.memory_space<hbm>> -> memref<1000000x32xf32, #tpu.memory_space<hbm>>
    tpu.enqueue_indirect_dma source(%dma_start3A_143 : memref<1000000x32xf32, #tpu.memory_space<hbm>>) target(%dma_start3A_137 : memref<128x32xf32, #tpu.memory_space<vmem>>) offsets(%dma_start3A_140 : memref<128xi32, #tpu.memory_space<vmem>>) semaphore(%arg8 : memref<!tpu.dma_semaphore, #tpu.memory_space<semaphore_mem>>)
    %dma_wait3A = arith.constant 10 : i32
    %dma_wait3A_144 = arith.constant 0 : i32
    %dma_wait3A_145 = tpu.memref_slice %arg5[%dma_wait3A, %dma_wait3A_144] : memref<200x128xi32, #tpu.memory_space<vmem>> -> memref<190x128xi32, #tpu.memory_space<vmem>>
    %dma_wait3A_146 = arith.constant 10 : i32
    %dma_wait3A_147 = arith.constant 0 : i32
    %dma_wait3A_148 = tpu.memref_slice %arg2[%add3A, %dma_wait3A_146, %dma_wait3A_147] : memref<32x200x128xi32, #tpu.memory_space<hbm>> -> memref<1x190x128xi32, #tpu.memory_space<hbm>>
    %dma_wait3A_149 = tpu.memref_squeeze %dma_wait3A_148 : memref<1x190x128xi32, #tpu.memory_space<hbm>> -> memref<190x128xi32, #tpu.memory_space<hbm>>
    %dma_wait3A_150 = arith.constant 10 : i32
    %dma_wait3A_151 = arith.constant 0 : i32
    %dma_wait3A_152 = tpu.memref_slice %arg5[%dma_wait3A_150, %dma_wait3A_151] : memref<200x128xi32, #tpu.memory_space<vmem>> -> memref<190x128xi32, #tpu.memory_space<vmem>>
    %dma_wait3A_153 = arith.constant 10 : i32
    %dma_wait3A_154 = arith.constant 0 : i32
    %dma_wait3A_155 = tpu.memref_slice %arg2[%add3A, %dma_wait3A_153, %dma_wait3A_154] : memref<32x200x128xi32, #tpu.memory_space<hbm>> -> memref<1x190x128xi32, #tpu.memory_space<hbm>>
    %dma_wait3A_156 = tpu.memref_squeeze %dma_wait3A_155 : memref<1x190x128xi32, #tpu.memory_space<hbm>> -> memref<190x128xi32, #tpu.memory_space<hbm>>
    tpu.wait_dma2 semaphore(%arg13 : memref<!tpu.dma_semaphore, #tpu.memory_space<semaphore_mem>>) src(%dma_wait3A_156 : memref<190x128xi32, #tpu.memory_space<hbm>>) dst(%dma_wait3A_152 : memref<190x128xi32, #tpu.memory_space<vmem>>)
    %scan3A = arith.constant 0 : i32
    %scan3A_157 = arith.constant 0 : i32
    %scan3A_158 = arith.constant 10 : i32
    %scan3A_159 = arith.addi %scan3A_157, %scan3A_158 : i32
    %scan3A_160 = arith.constant 1 : i32
    scf.for %scan3A_206 = %scan3A_157 to %scan3A_159 step %scan3A_160  : i32 {
      %mul3A_207 = arith.constant 4 : i32
      %mul3A_208 = arith.muli %mul3A_207, %scan3A_206 : i32
      %dma_wait3A_209 = arith.constant 0 : i32
      %dma_wait3A_210 = arith.constant 0 : i32
      %dma_wait3A_211 = arith.constant 0 : i32
      %dma_wait3A_212 = arith.constant 0 : i32
      %dma_wait3A_213 = arith.constant 0 : i32
      %dma_wait3A_214 = tpu.memref_slice %arg6[%dma_wait3A_210, %dma_wait3A_211, %dma_wait3A_212, %dma_wait3A_213] : memref<4x5x128x32xf32, #tpu.memory_space<vmem>> -> memref<1x5x128x32xf32, #tpu.memory_space<vmem>>
      %dma_wait3A_215 = tpu.memref_squeeze %dma_wait3A_214 : memref<1x5x128x32xf32, #tpu.memory_space<vmem>> -> memref<5x128x32xf32, #tpu.memory_space<vmem>>
      %dma_wait3A_216 = arith.constant 0 : i32
      %dma_wait3A_217 = arith.constant 0 : i32
      %dma_wait3A_218 = arith.constant 0 : i32
      %dma_wait3A_219 = tpu.memref_slice %arg4[%dma_wait3A_209, %dma_wait3A_216, %dma_wait3A_217, %dma_wait3A_218] : memref<32x200x128x32xf32, #tpu.memory_space<hbm>> -> memref<1x5x128x32xf32, #tpu.memory_space<hbm>>
      %dma_wait3A_220 = tpu.memref_squeeze %dma_wait3A_219 : memref<1x5x128x32xf32, #tpu.memory_space<hbm>> -> memref<5x128x32xf32, #tpu.memory_space<hbm>>
      %dma_wait3A_221 = arith.constant 0 : i32
      %dma_wait3A_222 = arith.constant 0 : i32
      %dma_wait3A_223 = arith.constant 0 : i32
      %dma_wait3A_224 = tpu.memref_slice %arg6[%dma_wait3A_210, %dma_wait3A_221, %dma_wait3A_222, %dma_wait3A_223] : memref<4x5x128x32xf32, #tpu.memory_space<vmem>> -> memref<1x5x128x32xf32, #tpu.memory_space<vmem>>
      %dma_wait3A_225 = tpu.memref_squeeze %dma_wait3A_224 : memref<1x5x128x32xf32, #tpu.memory_space<vmem>> -> memref<5x128x32xf32, #tpu.memory_space<vmem>>
      %dma_wait3A_226 = arith.constant 0 : i32
      %dma_wait3A_227 = arith.constant 0 : i32
      %dma_wait3A_228 = arith.constant 0 : i32
      %dma_wait3A_229 = tpu.memref_slice %arg4[%dma_wait3A_209, %dma_wait3A_226, %dma_wait3A_227, %dma_wait3A_228] : memref<32x200x128x32xf32, #tpu.memory_space<hbm>> -> memref<1x5x128x32xf32, #tpu.memory_space<hbm>>
      %dma_wait3A_230 = tpu.memref_squeeze %dma_wait3A_229 : memref<1x5x128x32xf32, #tpu.memory_space<hbm>> -> memref<5x128x32xf32, #tpu.memory_space<hbm>>
      tpu.wait_dma2 semaphore(%arg7 : memref<!tpu.dma_semaphore, #tpu.memory_space<semaphore_mem>>) src(%dma_wait3A_230 : memref<5x128x32xf32, #tpu.memory_space<hbm>>) dst(%dma_wait3A_225 : memref<5x128x32xf32, #tpu.memory_space<vmem>>)
      %ge3A = arith.constant 2 : i32
      %ge3A_231 = arith.cmpi sge, %mul3A_208, %ge3A : i32
      %convert_element_type3A = arith.extui %ge3A_231 : i1 to i32
      %cond3A = arith.constant 0 : i32
      %cond3A_232 = arith.cmpi ne, %convert_element_type3A, %cond3A : i32
      scf.if %cond3A_232 {
        %dma_wait3A_431 = arith.constant 0 : i32
        %dma_wait3A_432 = arith.constant 0 : i32
        %dma_wait3A_433 = arith.constant 0 : i32
        %dma_wait3A_434 = arith.constant 0 : i32
        %dma_wait3A_435 = arith.constant 0 : i32
        %dma_wait3A_436 = tpu.memref_slice %arg6[%dma_wait3A_431, %dma_wait3A_433, %dma_wait3A_434, %dma_wait3A_435] : memref<4x5x128x32xf32, #tpu.memory_space<vmem>> -> memref<1x5x128x32xf32, #tpu.memory_space<vmem>>
        %dma_wait3A_437 = tpu.memref_squeeze %dma_wait3A_436 : memref<1x5x128x32xf32, #tpu.memory_space<vmem>> -> memref<5x128x32xf32, #tpu.memory_space<vmem>>
        %dma_wait3A_438 = arith.constant 0 : i32
        %dma_wait3A_439 = arith.constant 0 : i32
        %dma_wait3A_440 = arith.constant 0 : i32
        %dma_wait3A_441 = tpu.memref_slice %arg4[%dma_wait3A_432, %dma_wait3A_438, %dma_wait3A_439, %dma_wait3A_440] : memref<32x200x128x32xf32, #tpu.memory_space<hbm>> -> memref<1x5x128x32xf32, #tpu.memory_space<hbm>>
        %dma_wait3A_442 = tpu.memref_squeeze %dma_wait3A_441 : memref<1x5x128x32xf32, #tpu.memory_space<hbm>> -> memref<5x128x32xf32, #tpu.memory_space<hbm>>
        %dma_wait3A_443 = arith.constant 0 : i32
        %dma_wait3A_444 = arith.constant 0 : i32
        %dma_wait3A_445 = arith.constant 0 : i32
        %dma_wait3A_446 = tpu.memref_slice %arg4[%dma_wait3A_432, %dma_wait3A_443, %dma_wait3A_444, %dma_wait3A_445] : memref<32x200x128x32xf32, #tpu.memory_space<hbm>> -> memref<1x5x128x32xf32, #tpu.memory_space<hbm>>
        %dma_wait3A_447 = tpu.memref_squeeze %dma_wait3A_446 : memref<1x5x128x32xf32, #tpu.memory_space<hbm>> -> memref<5x128x32xf32, #tpu.memory_space<hbm>>
        %dma_wait3A_448 = arith.constant 0 : i32
        %dma_wait3A_449 = arith.constant 0 : i32
        %dma_wait3A_450 = arith.constant 0 : i32
        %dma_wait3A_451 = tpu.memref_slice %arg6[%dma_wait3A_431, %dma_wait3A_448, %dma_wait3A_449, %dma_wait3A_450] : memref<4x5x128x32xf32, #tpu.memory_space<vmem>> -> memref<1x5x128x32xf32, #tpu.memory_space<vmem>>
        %dma_wait3A_452 = tpu.memref_squeeze %dma_wait3A_451 : memref<1x5x128x32xf32, #tpu.memory_space<vmem>> -> memref<5x128x32xf32, #tpu.memory_space<vmem>>
        tpu.wait_dma2 semaphore(%arg11 : memref<!tpu.dma_semaphore, #tpu.memory_space<semaphore_mem>>) src(%dma_wait3A_452 : memref<5x128x32xf32, #tpu.memory_space<vmem>>) dst(%dma_wait3A_447 : memref<5x128x32xf32, #tpu.memory_space<hbm>>)
      } else {
      }
      %mul3A_233 = arith.constant 5 : i32
      %mul3A_234 = arith.muli %mul3A_208, %mul3A_233 : i32
      %dma_start3A_235 = arith.constant 0 : i32
      %dma_start3A_236 = arith.constant 0 : i32
      %dma_start3A_237 = arith.constant 0 : i32
      %dma_start3A_238 = arith.constant 0 : i32
      %dma_start3A_239 = tpu.memref_slice %arg6[%dma_start3A_235, %dma_start3A_236, %dma_start3A_237, %dma_start3A_238] : memref<4x5x128x32xf32, #tpu.memory_space<vmem>> -> memref<1x5x128x32xf32, #tpu.memory_space<vmem>>
      %dma_start3A_240 = tpu.memref_squeeze %dma_start3A_239 : memref<1x5x128x32xf32, #tpu.memory_space<vmem>> -> memref<5x128x32xf32, #tpu.memory_space<vmem>>
      %dma_start3A_241 = arith.constant 0 : i32
      %dma_start3A_242 = arith.constant 0 : i32
      %dma_start3A_243 = tpu.memref_slice %arg4[%add3A, %mul3A_234, %dma_start3A_241, %dma_start3A_242] : memref<32x200x128x32xf32, #tpu.memory_space<hbm>> -> memref<1x5x128x32xf32, #tpu.memory_space<hbm>>
      %dma_start3A_244 = tpu.memref_squeeze %dma_start3A_243 : memref<1x5x128x32xf32, #tpu.memory_space<hbm>> -> memref<5x128x32xf32, #tpu.memory_space<hbm>>
      %dma_start3A_245 = arith.constant 0 : i32
      %dma_start3A_246 = arith.constant 0 : i32
      %dma_start3A_247 = tpu.memref_slice %arg4[%add3A, %mul3A_234, %dma_start3A_245, %dma_start3A_246] : memref<32x200x128x32xf32, #tpu.memory_space<hbm>> -> memref<1x5x128x32xf32, #tpu.memory_space<hbm>>
      %dma_start3A_248 = tpu.memref_squeeze %dma_start3A_247 : memref<1x5x128x32xf32, #tpu.memory_space<hbm>> -> memref<5x128x32xf32, #tpu.memory_space<hbm>>
      %dma_start3A_249 = arith.constant 0 : i32
      %dma_start3A_250 = arith.constant 0 : i32
      %dma_start3A_251 = arith.constant 0 : i32
      %dma_start3A_252 = tpu.memref_slice %arg6[%dma_start3A_235, %dma_start3A_249, %dma_start3A_250, %dma_start3A_251] : memref<4x5x128x32xf32, #tpu.memory_space<vmem>> -> memref<1x5x128x32xf32, #tpu.memory_space<vmem>>
      %dma_start3A_253 = tpu.memref_squeeze %dma_start3A_252 : memref<1x5x128x32xf32, #tpu.memory_space<vmem>> -> memref<5x128x32xf32, #tpu.memory_space<vmem>>
      tpu.enqueue_dma source(%dma_start3A_253 : memref<5x128x32xf32, #tpu.memory_space<vmem>>) target(%dma_start3A_248 : memref<5x128x32xf32, #tpu.memory_space<hbm>>) target_semaphore(%arg11 : memref<!tpu.dma_semaphore, #tpu.memory_space<semaphore_mem>>)
      %add3A_254 = arith.constant 2 : i32
      %add3A_255 = arith.addi %mul3A_208, %add3A_254 : i32
      %lt3A = arith.constant 40 : i32
      %lt3A_256 = arith.cmpi slt, %add3A_255, %lt3A : i32
      %convert_element_type3A_257 = arith.extui %lt3A_256 : i1 to i32
      %cond3A_258 = arith.constant 0 : i32
      %cond3A_259 = arith.cmpi ne, %convert_element_type3A_257, %cond3A_258 : i32
      scf.if %cond3A_259 {
        %add3A_431 = arith.constant 2 : i32
        %add3A_432 = arith.addi %mul3A_208, %add3A_431 : i32
        %mul3A_433 = arith.constant 5 : i32
        %mul3A_434 = arith.muli %add3A_432, %mul3A_433 : i32
        %add3A_435 = arith.constant 0 : i32
        %add3A_436 = arith.addi %mul3A_434, %add3A_435 : i32
        %dma_start3A_437 = arith.constant 2 : i32
        %dma_start3A_438 = arith.constant 0 : i32
        %dma_start3A_439 = arith.constant 0 : i32
        %dma_start3A_440 = arith.constant 0 : i32
        %dma_start3A_441 = tpu.memref_slice %arg6[%dma_start3A_437, %dma_start3A_438, %dma_start3A_439, %dma_start3A_440] : memref<4x5x128x32xf32, #tpu.memory_space<vmem>> -> memref<1x1x128x32xf32, #tpu.memory_space<vmem>>
        %dma_start3A_442 = tpu.memref_squeeze %dma_start3A_441 : memref<1x1x128x32xf32, #tpu.memory_space<vmem>> -> memref<128x32xf32, #tpu.memory_space<vmem>>
        %dma_start3A_443 = arith.constant 0 : i32
        %dma_start3A_444 = tpu.memref_slice %arg5[%add3A_436, %dma_start3A_443] : memref<200x128xi32, #tpu.memory_space<vmem>> -> memref<1x128xi32, #tpu.memory_space<vmem>>
        %dma_start3A_445 = tpu.memref_squeeze %dma_start3A_444 : memref<1x128xi32, #tpu.memory_space<vmem>> -> memref<128xi32, #tpu.memory_space<vmem>>
        %dma_start3A_446 = arith.constant 0 : i32
        %dma_start3A_447 = arith.constant 0 : i32
        %dma_start3A_448 = tpu.memref_slice %arg3[%dma_start3A_446, %dma_start3A_447] : memref<1000000x32xf32, #tpu.memory_space<hbm>> -> memref<1000000x32xf32, #tpu.memory_space<hbm>>
        tpu.enqueue_indirect_dma source(%dma_start3A_448 : memref<1000000x32xf32, #tpu.memory_space<hbm>>) target(%dma_start3A_442 : memref<128x32xf32, #tpu.memory_space<vmem>>) offsets(%dma_start3A_445 : memref<128xi32, #tpu.memory_space<vmem>>) semaphore(%arg9 : memref<!tpu.dma_semaphore, #tpu.memory_space<semaphore_mem>>)
        %mul3A_449 = arith.constant 5 : i32
        %mul3A_450 = arith.muli %add3A_432, %mul3A_449 : i32
        %add3A_451 = arith.constant 1 : i32
        %add3A_452 = arith.addi %mul3A_450, %add3A_451 : i32
        %dma_start3A_453 = arith.constant 2 : i32
        %dma_start3A_454 = arith.constant 1 : i32
        %dma_start3A_455 = arith.constant 0 : i32
        %dma_start3A_456 = arith.constant 0 : i32
        %dma_start3A_457 = tpu.memref_slice %arg6[%dma_start3A_453, %dma_start3A_454, %dma_start3A_455, %dma_start3A_456] : memref<4x5x128x32xf32, #tpu.memory_space<vmem>> -> memref<1x1x128x32xf32, #tpu.memory_space<vmem>>
        %dma_start3A_458 = tpu.memref_squeeze %dma_start3A_457 : memref<1x1x128x32xf32, #tpu.memory_space<vmem>> -> memref<128x32xf32, #tpu.memory_space<vmem>>
        %dma_start3A_459 = arith.constant 0 : i32
        %dma_start3A_460 = tpu.memref_slice %arg5[%add3A_452, %dma_start3A_459] : memref<200x128xi32, #tpu.memory_space<vmem>> -> memref<1x128xi32, #tpu.memory_space<vmem>>
        %dma_start3A_461 = tpu.memref_squeeze %dma_start3A_460 : memref<1x128xi32, #tpu.memory_space<vmem>> -> memref<128xi32, #tpu.memory_space<vmem>>
        %dma_start3A_462 = arith.constant 0 : i32
        %dma_start3A_463 = arith.constant 0 : i32
        %dma_start3A_464 = tpu.memref_slice %arg3[%dma_start3A_462, %dma_start3A_463] : memref<1000000x32xf32, #tpu.memory_space<hbm>> -> memref<1000000x32xf32, #tpu.memory_space<hbm>>
        tpu.enqueue_indirect_dma source(%dma_start3A_464 : memref<1000000x32xf32, #tpu.memory_space<hbm>>) target(%dma_start3A_458 : memref<128x32xf32, #tpu.memory_space<vmem>>) offsets(%dma_start3A_461 : memref<128xi32, #tpu.memory_space<vmem>>) semaphore(%arg9 : memref<!tpu.dma_semaphore, #tpu.memory_space<semaphore_mem>>)
        %mul3A_465 = arith.constant 5 : i32
        %mul3A_466 = arith.muli %add3A_432, %mul3A_465 : i32
        %add3A_467 = arith.constant 2 : i32
        %add3A_468 = arith.addi %mul3A_466, %add3A_467 : i32
        %dma_start3A_469 = arith.constant 2 : i32
        %dma_start3A_470 = arith.constant 2 : i32
        %dma_start3A_471 = arith.constant 0 : i32
        %dma_start3A_472 = arith.constant 0 : i32
        %dma_start3A_473 = tpu.memref_slice %arg6[%dma_start3A_469, %dma_start3A_470, %dma_start3A_471, %dma_start3A_472] : memref<4x5x128x32xf32, #tpu.memory_space<vmem>> -> memref<1x1x128x32xf32, #tpu.memory_space<vmem>>
        %dma_start3A_474 = tpu.memref_squeeze %dma_start3A_473 : memref<1x1x128x32xf32, #tpu.memory_space<vmem>> -> memref<128x32xf32, #tpu.memory_space<vmem>>
        %dma_start3A_475 = arith.constant 0 : i32
        %dma_start3A_476 = tpu.memref_slice %arg5[%add3A_468, %dma_start3A_475] : memref<200x128xi32, #tpu.memory_space<vmem>> -> memref<1x128xi32, #tpu.memory_space<vmem>>
        %dma_start3A_477 = tpu.memref_squeeze %dma_start3A_476 : memref<1x128xi32, #tpu.memory_space<vmem>> -> memref<128xi32, #tpu.memory_space<vmem>>
        %dma_start3A_478 = arith.constant 0 : i32
        %dma_start3A_479 = arith.constant 0 : i32
        %dma_start3A_480 = tpu.memref_slice %arg3[%dma_start3A_478, %dma_start3A_479] : memref<1000000x32xf32, #tpu.memory_space<hbm>> -> memref<1000000x32xf32, #tpu.memory_space<hbm>>
        tpu.enqueue_indirect_dma source(%dma_start3A_480 : memref<1000000x32xf32, #tpu.memory_space<hbm>>) target(%dma_start3A_474 : memref<128x32xf32, #tpu.memory_space<vmem>>) offsets(%dma_start3A_477 : memref<128xi32, #tpu.memory_space<vmem>>) semaphore(%arg9 : memref<!tpu.dma_semaphore, #tpu.memory_space<semaphore_mem>>)
        %mul3A_481 = arith.constant 5 : i32
        %mul3A_482 = arith.muli %add3A_432, %mul3A_481 : i32
        %add3A_483 = arith.constant 3 : i32
        %add3A_484 = arith.addi %mul3A_482, %add3A_483 : i32
        %dma_start3A_485 = arith.constant 2 : i32
        %dma_start3A_486 = arith.constant 3 : i32
        %dma_start3A_487 = arith.constant 0 : i32
        %dma_start3A_488 = arith.constant 0 : i32
        %dma_start3A_489 = tpu.memref_slice %arg6[%dma_start3A_485, %dma_start3A_486, %dma_start3A_487, %dma_start3A_488] : memref<4x5x128x32xf32, #tpu.memory_space<vmem>> -> memref<1x1x128x32xf32, #tpu.memory_space<vmem>>
        %dma_start3A_490 = tpu.memref_squeeze %dma_start3A_489 : memref<1x1x128x32xf32, #tpu.memory_space<vmem>> -> memref<128x32xf32, #tpu.memory_space<vmem>>
        %dma_start3A_491 = arith.constant 0 : i32
        %dma_start3A_492 = tpu.memref_slice %arg5[%add3A_484, %dma_start3A_491] : memref<200x128xi32, #tpu.memory_space<vmem>> -> memref<1x128xi32, #tpu.memory_space<vmem>>
        %dma_start3A_493 = tpu.memref_squeeze %dma_start3A_492 : memref<1x128xi32, #tpu.memory_space<vmem>> -> memref<128xi32, #tpu.memory_space<vmem>>
        %dma_start3A_494 = arith.constant 0 : i32
        %dma_start3A_495 = arith.constant 0 : i32
        %dma_start3A_496 = tpu.memref_slice %arg3[%dma_start3A_494, %dma_start3A_495] : memref<1000000x32xf32, #tpu.memory_space<hbm>> -> memref<1000000x32xf32, #tpu.memory_space<hbm>>
        tpu.enqueue_indirect_dma source(%dma_start3A_496 : memref<1000000x32xf32, #tpu.memory_space<hbm>>) target(%dma_start3A_490 : memref<128x32xf32, #tpu.memory_space<vmem>>) offsets(%dma_start3A_493 : memref<128xi32, #tpu.memory_space<vmem>>) semaphore(%arg9 : memref<!tpu.dma_semaphore, #tpu.memory_space<semaphore_mem>>)
        %mul3A_497 = arith.constant 5 : i32
        %mul3A_498 = arith.muli %add3A_432, %mul3A_497 : i32
        %add3A_499 = arith.constant 4 : i32
        %add3A_500 = arith.addi %mul3A_498, %add3A_499 : i32
        %dma_start3A_501 = arith.constant 2 : i32
        %dma_start3A_502 = arith.constant 4 : i32
        %dma_start3A_503 = arith.constant 0 : i32
        %dma_start3A_504 = arith.constant 0 : i32
        %dma_start3A_505 = tpu.memref_slice %arg6[%dma_start3A_501, %dma_start3A_502, %dma_start3A_503, %dma_start3A_504] : memref<4x5x128x32xf32, #tpu.memory_space<vmem>> -> memref<1x1x128x32xf32, #tpu.memory_space<vmem>>
        %dma_start3A_506 = tpu.memref_squeeze %dma_start3A_505 : memref<1x1x128x32xf32, #tpu.memory_space<vmem>> -> memref<128x32xf32, #tpu.memory_space<vmem>>
        %dma_start3A_507 = arith.constant 0 : i32
        %dma_start3A_508 = tpu.memref_slice %arg5[%add3A_500, %dma_start3A_507] : memref<200x128xi32, #tpu.memory_space<vmem>> -> memref<1x128xi32, #tpu.memory_space<vmem>>
        %dma_start3A_509 = tpu.memref_squeeze %dma_start3A_508 : memref<1x128xi32, #tpu.memory_space<vmem>> -> memref<128xi32, #tpu.memory_space<vmem>>
        %dma_start3A_510 = arith.constant 0 : i32
        %dma_start3A_511 = arith.constant 0 : i32
        %dma_start3A_512 = tpu.memref_slice %arg3[%dma_start3A_510, %dma_start3A_511] : memref<1000000x32xf32, #tpu.memory_space<hbm>> -> memref<1000000x32xf32, #tpu.memory_space<hbm>>
        tpu.enqueue_indirect_dma source(%dma_start3A_512 : memref<1000000x32xf32, #tpu.memory_space<hbm>>) target(%dma_start3A_506 : memref<128x32xf32, #tpu.memory_space<vmem>>) offsets(%dma_start3A_509 : memref<128xi32, #tpu.memory_space<vmem>>) semaphore(%arg9 : memref<!tpu.dma_semaphore, #tpu.memory_space<semaphore_mem>>)
      } else {
      }
      %add3A_260 = arith.constant 1 : i32
      %add3A_261 = arith.addi %mul3A_208, %add3A_260 : i32
      %dma_wait3A_262 = arith.constant 0 : i32
      %dma_wait3A_263 = arith.constant 1 : i32
      %dma_wait3A_264 = arith.constant 0 : i32
      %dma_wait3A_265 = arith.constant 0 : i32
      %dma_wait3A_266 = arith.constant 0 : i32
      %dma_wait3A_267 = tpu.memref_slice %arg6[%dma_wait3A_263, %dma_wait3A_264, %dma_wait3A_265, %dma_wait3A_266] : memref<4x5x128x32xf32, #tpu.memory_space<vmem>> -> memref<1x5x128x32xf32, #tpu.memory_space<vmem>>
      %dma_wait3A_268 = tpu.memref_squeeze %dma_wait3A_267 : memref<1x5x128x32xf32, #tpu.memory_space<vmem>> -> memref<5x128x32xf32, #tpu.memory_space<vmem>>
      %dma_wait3A_269 = arith.constant 0 : i32
      %dma_wait3A_270 = arith.constant 0 : i32
      %dma_wait3A_271 = arith.constant 0 : i32
      %dma_wait3A_272 = tpu.memref_slice %arg4[%dma_wait3A_262, %dma_wait3A_269, %dma_wait3A_270, %dma_wait3A_271] : memref<32x200x128x32xf32, #tpu.memory_space<hbm>> -> memref<1x5x128x32xf32, #tpu.memory_space<hbm>>
      %dma_wait3A_273 = tpu.memref_squeeze %dma_wait3A_272 : memref<1x5x128x32xf32, #tpu.memory_space<hbm>> -> memref<5x128x32xf32, #tpu.memory_space<hbm>>
      %dma_wait3A_274 = arith.constant 0 : i32
      %dma_wait3A_275 = arith.constant 0 : i32
      %dma_wait3A_276 = arith.constant 0 : i32
      %dma_wait3A_277 = tpu.memref_slice %arg6[%dma_wait3A_263, %dma_wait3A_274, %dma_wait3A_275, %dma_wait3A_276] : memref<4x5x128x32xf32, #tpu.memory_space<vmem>> -> memref<1x5x128x32xf32, #tpu.memory_space<vmem>>
      %dma_wait3A_278 = tpu.memref_squeeze %dma_wait3A_277 : memref<1x5x128x32xf32, #tpu.memory_space<vmem>> -> memref<5x128x32xf32, #tpu.memory_space<vmem>>
      %dma_wait3A_279 = arith.constant 0 : i32
      %dma_wait3A_280 = arith.constant 0 : i32
      %dma_wait3A_281 = arith.constant 0 : i32
      %dma_wait3A_282 = tpu.memref_slice %arg4[%dma_wait3A_262, %dma_wait3A_279, %dma_wait3A_280, %dma_wait3A_281] : memref<32x200x128x32xf32, #tpu.memory_space<hbm>> -> memref<1x5x128x32xf32, #tpu.memory_space<hbm>>
      %dma_wait3A_283 = tpu.memref_squeeze %dma_wait3A_282 : memref<1x5x128x32xf32, #tpu.memory_space<hbm>> -> memref<5x128x32xf32, #tpu.memory_space<hbm>>
      tpu.wait_dma2 semaphore(%arg8 : memref<!tpu.dma_semaphore, #tpu.memory_space<semaphore_mem>>) src(%dma_wait3A_283 : memref<5x128x32xf32, #tpu.memory_space<hbm>>) dst(%dma_wait3A_278 : memref<5x128x32xf32, #tpu.memory_space<vmem>>)
      %ge3A_284 = arith.constant 2 : i32
      %ge3A_285 = arith.cmpi sge, %add3A_261, %ge3A_284 : i32
      %convert_element_type3A_286 = arith.extui %ge3A_285 : i1 to i32
      %cond3A_287 = arith.constant 0 : i32
      %cond3A_288 = arith.cmpi ne, %convert_element_type3A_286, %cond3A_287 : i32
      scf.if %cond3A_288 {
        %dma_wait3A_431 = arith.constant 0 : i32
        %dma_wait3A_432 = arith.constant 0 : i32
        %dma_wait3A_433 = arith.constant 0 : i32
        %dma_wait3A_434 = arith.constant 0 : i32
        %dma_wait3A_435 = arith.constant 0 : i32
        %dma_wait3A_436 = tpu.memref_slice %arg6[%dma_wait3A_431, %dma_wait3A_433, %dma_wait3A_434, %dma_wait3A_435] : memref<4x5x128x32xf32, #tpu.memory_space<vmem>> -> memref<1x5x128x32xf32, #tpu.memory_space<vmem>>
        %dma_wait3A_437 = tpu.memref_squeeze %dma_wait3A_436 : memref<1x5x128x32xf32, #tpu.memory_space<vmem>> -> memref<5x128x32xf32, #tpu.memory_space<vmem>>
        %dma_wait3A_438 = arith.constant 0 : i32
        %dma_wait3A_439 = arith.constant 0 : i32
        %dma_wait3A_440 = arith.constant 0 : i32
        %dma_wait3A_441 = tpu.memref_slice %arg4[%dma_wait3A_432, %dma_wait3A_438, %dma_wait3A_439, %dma_wait3A_440] : memref<32x200x128x32xf32, #tpu.memory_space<hbm>> -> memref<1x5x128x32xf32, #tpu.memory_space<hbm>>
        %dma_wait3A_442 = tpu.memref_squeeze %dma_wait3A_441 : memref<1x5x128x32xf32, #tpu.memory_space<hbm>> -> memref<5x128x32xf32, #tpu.memory_space<hbm>>
        %dma_wait3A_443 = arith.constant 0 : i32
        %dma_wait3A_444 = arith.constant 0 : i32
        %dma_wait3A_445 = arith.constant 0 : i32
        %dma_wait3A_446 = tpu.memref_slice %arg4[%dma_wait3A_432, %dma_wait3A_443, %dma_wait3A_444, %dma_wait3A_445] : memref<32x200x128x32xf32, #tpu.memory_space<hbm>> -> memref<1x5x128x32xf32, #tpu.memory_space<hbm>>
        %dma_wait3A_447 = tpu.memref_squeeze %dma_wait3A_446 : memref<1x5x128x32xf32, #tpu.memory_space<hbm>> -> memref<5x128x32xf32, #tpu.memory_space<hbm>>
        %dma_wait3A_448 = arith.constant 0 : i32
        %dma_wait3A_449 = arith.constant 0 : i32
        %dma_wait3A_450 = arith.constant 0 : i32
        %dma_wait3A_451 = tpu.memref_slice %arg6[%dma_wait3A_431, %dma_wait3A_448, %dma_wait3A_449, %dma_wait3A_450] : memref<4x5x128x32xf32, #tpu.memory_space<vmem>> -> memref<1x5x128x32xf32, #tpu.memory_space<vmem>>
        %dma_wait3A_452 = tpu.memref_squeeze %dma_wait3A_451 : memref<1x5x128x32xf32, #tpu.memory_space<vmem>> -> memref<5x128x32xf32, #tpu.memory_space<vmem>>
        tpu.wait_dma2 semaphore(%arg12 : memref<!tpu.dma_semaphore, #tpu.memory_space<semaphore_mem>>) src(%dma_wait3A_452 : memref<5x128x32xf32, #tpu.memory_space<vmem>>) dst(%dma_wait3A_447 : memref<5x128x32xf32, #tpu.memory_space<hbm>>)
      } else {
      }
      %mul3A_289 = arith.constant 5 : i32
      %mul3A_290 = arith.muli %add3A_261, %mul3A_289 : i32
      %dma_start3A_291 = arith.constant 1 : i32
      %dma_start3A_292 = arith.constant 0 : i32
      %dma_start3A_293 = arith.constant 0 : i32
      %dma_start3A_294 = arith.constant 0 : i32
      %dma_start3A_295 = tpu.memref_slice %arg6[%dma_start3A_291, %dma_start3A_292, %dma_start3A_293, %dma_start3A_294] : memref<4x5x128x32xf32, #tpu.memory_space<vmem>> -> memref<1x5x128x32xf32, #tpu.memory_space<vmem>>
      %dma_start3A_296 = tpu.memref_squeeze %dma_start3A_295 : memref<1x5x128x32xf32, #tpu.memory_space<vmem>> -> memref<5x128x32xf32, #tpu.memory_space<vmem>>
      %dma_start3A_297 = arith.constant 0 : i32
      %dma_start3A_298 = arith.constant 0 : i32
      %dma_start3A_299 = tpu.memref_slice %arg4[%add3A, %mul3A_290, %dma_start3A_297, %dma_start3A_298] : memref<32x200x128x32xf32, #tpu.memory_space<hbm>> -> memref<1x5x128x32xf32, #tpu.memory_space<hbm>>
      %dma_start3A_300 = tpu.memref_squeeze %dma_start3A_299 : memref<1x5x128x32xf32, #tpu.memory_space<hbm>> -> memref<5x128x32xf32, #tpu.memory_space<hbm>>
      %dma_start3A_301 = arith.constant 0 : i32
      %dma_start3A_302 = arith.constant 0 : i32
      %dma_start3A_303 = tpu.memref_slice %arg4[%add3A, %mul3A_290, %dma_start3A_301, %dma_start3A_302] : memref<32x200x128x32xf32, #tpu.memory_space<hbm>> -> memref<1x5x128x32xf32, #tpu.memory_space<hbm>>
      %dma_start3A_304 = tpu.memref_squeeze %dma_start3A_303 : memref<1x5x128x32xf32, #tpu.memory_space<hbm>> -> memref<5x128x32xf32, #tpu.memory_space<hbm>>
      %dma_start3A_305 = arith.constant 0 : i32
      %dma_start3A_306 = arith.constant 0 : i32
      %dma_start3A_307 = arith.constant 0 : i32
      %dma_start3A_308 = tpu.memref_slice %arg6[%dma_start3A_291, %dma_start3A_305, %dma_start3A_306, %dma_start3A_307] : memref<4x5x128x32xf32, #tpu.memory_space<vmem>> -> memref<1x5x128x32xf32, #tpu.memory_space<vmem>>
      %dma_start3A_309 = tpu.memref_squeeze %dma_start3A_308 : memref<1x5x128x32xf32, #tpu.memory_space<vmem>> -> memref<5x128x32xf32, #tpu.memory_space<vmem>>
      tpu.enqueue_dma source(%dma_start3A_309 : memref<5x128x32xf32, #tpu.memory_space<vmem>>) target(%dma_start3A_304 : memref<5x128x32xf32, #tpu.memory_space<hbm>>) target_semaphore(%arg12 : memref<!tpu.dma_semaphore, #tpu.memory_space<semaphore_mem>>)
      %add3A_310 = arith.constant 2 : i32
      %add3A_311 = arith.addi %add3A_261, %add3A_310 : i32
      %lt3A_312 = arith.constant 40 : i32
      %lt3A_313 = arith.cmpi slt, %add3A_311, %lt3A_312 : i32
      %convert_element_type3A_314 = arith.extui %lt3A_313 : i1 to i32
      %cond3A_315 = arith.constant 0 : i32
      %cond3A_316 = arith.cmpi ne, %convert_element_type3A_314, %cond3A_315 : i32
      scf.if %cond3A_316 {
        %add3A_431 = arith.constant 2 : i32
        %add3A_432 = arith.addi %add3A_261, %add3A_431 : i32
        %mul3A_433 = arith.constant 5 : i32
        %mul3A_434 = arith.muli %add3A_432, %mul3A_433 : i32
        %add3A_435 = arith.constant 0 : i32
        %add3A_436 = arith.addi %mul3A_434, %add3A_435 : i32
        %dma_start3A_437 = arith.constant 3 : i32
        %dma_start3A_438 = arith.constant 0 : i32
        %dma_start3A_439 = arith.constant 0 : i32
        %dma_start3A_440 = arith.constant 0 : i32
        %dma_start3A_441 = tpu.memref_slice %arg6[%dma_start3A_437, %dma_start3A_438, %dma_start3A_439, %dma_start3A_440] : memref<4x5x128x32xf32, #tpu.memory_space<vmem>> -> memref<1x1x128x32xf32, #tpu.memory_space<vmem>>
        %dma_start3A_442 = tpu.memref_squeeze %dma_start3A_441 : memref<1x1x128x32xf32, #tpu.memory_space<vmem>> -> memref<128x32xf32, #tpu.memory_space<vmem>>
        %dma_start3A_443 = arith.constant 0 : i32
        %dma_start3A_444 = tpu.memref_slice %arg5[%add3A_436, %dma_start3A_443] : memref<200x128xi32, #tpu.memory_space<vmem>> -> memref<1x128xi32, #tpu.memory_space<vmem>>
        %dma_start3A_445 = tpu.memref_squeeze %dma_start3A_444 : memref<1x128xi32, #tpu.memory_space<vmem>> -> memref<128xi32, #tpu.memory_space<vmem>>
        %dma_start3A_446 = arith.constant 0 : i32
        %dma_start3A_447 = arith.constant 0 : i32
        %dma_start3A_448 = tpu.memref_slice %arg3[%dma_start3A_446, %dma_start3A_447] : memref<1000000x32xf32, #tpu.memory_space<hbm>> -> memref<1000000x32xf32, #tpu.memory_space<hbm>>
        tpu.enqueue_indirect_dma source(%dma_start3A_448 : memref<1000000x32xf32, #tpu.memory_space<hbm>>) target(%dma_start3A_442 : memref<128x32xf32, #tpu.memory_space<vmem>>) offsets(%dma_start3A_445 : memref<128xi32, #tpu.memory_space<vmem>>) semaphore(%arg10 : memref<!tpu.dma_semaphore, #tpu.memory_space<semaphore_mem>>)
        %mul3A_449 = arith.constant 5 : i32
        %mul3A_450 = arith.muli %add3A_432, %mul3A_449 : i32
        %add3A_451 = arith.constant 1 : i32
        %add3A_452 = arith.addi %mul3A_450, %add3A_451 : i32
        %dma_start3A_453 = arith.constant 3 : i32
        %dma_start3A_454 = arith.constant 1 : i32
        %dma_start3A_455 = arith.constant 0 : i32
        %dma_start3A_456 = arith.constant 0 : i32
        %dma_start3A_457 = tpu.memref_slice %arg6[%dma_start3A_453, %dma_start3A_454, %dma_start3A_455, %dma_start3A_456] : memref<4x5x128x32xf32, #tpu.memory_space<vmem>> -> memref<1x1x128x32xf32, #tpu.memory_space<vmem>>
        %dma_start3A_458 = tpu.memref_squeeze %dma_start3A_457 : memref<1x1x128x32xf32, #tpu.memory_space<vmem>> -> memref<128x32xf32, #tpu.memory_space<vmem>>
        %dma_start3A_459 = arith.constant 0 : i32
        %dma_start3A_460 = tpu.memref_slice %arg5[%add3A_452, %dma_start3A_459] : memref<200x128xi32, #tpu.memory_space<vmem>> -> memref<1x128xi32, #tpu.memory_space<vmem>>
        %dma_start3A_461 = tpu.memref_squeeze %dma_start3A_460 : memref<1x128xi32, #tpu.memory_space<vmem>> -> memref<128xi32, #tpu.memory_space<vmem>>
        %dma_start3A_462 = arith.constant 0 : i32
        %dma_start3A_463 = arith.constant 0 : i32
        %dma_start3A_464 = tpu.memref_slice %arg3[%dma_start3A_462, %dma_start3A_463] : memref<1000000x32xf32, #tpu.memory_space<hbm>> -> memref<1000000x32xf32, #tpu.memory_space<hbm>>
        tpu.enqueue_indirect_dma source(%dma_start3A_464 : memref<1000000x32xf32, #tpu.memory_space<hbm>>) target(%dma_start3A_458 : memref<128x32xf32, #tpu.memory_space<vmem>>) offsets(%dma_start3A_461 : memref<128xi32, #tpu.memory_space<vmem>>) semaphore(%arg10 : memref<!tpu.dma_semaphore, #tpu.memory_space<semaphore_mem>>)
        %mul3A_465 = arith.constant 5 : i32
        %mul3A_466 = arith.muli %add3A_432, %mul3A_465 : i32
        %add3A_467 = arith.constant 2 : i32
        %add3A_468 = arith.addi %mul3A_466, %add3A_467 : i32
        %dma_start3A_469 = arith.constant 3 : i32
        %dma_start3A_470 = arith.constant 2 : i32
        %dma_start3A_471 = arith.constant 0 : i32
        %dma_start3A_472 = arith.constant 0 : i32
        %dma_start3A_473 = tpu.memref_slice %arg6[%dma_start3A_469, %dma_start3A_470, %dma_start3A_471, %dma_start3A_472] : memref<4x5x128x32xf32, #tpu.memory_space<vmem>> -> memref<1x1x128x32xf32, #tpu.memory_space<vmem>>
        %dma_start3A_474 = tpu.memref_squeeze %dma_start3A_473 : memref<1x1x128x32xf32, #tpu.memory_space<vmem>> -> memref<128x32xf32, #tpu.memory_space<vmem>>
        %dma_start3A_475 = arith.constant 0 : i32
        %dma_start3A_476 = tpu.memref_slice %arg5[%add3A_468, %dma_start3A_475] : memref<200x128xi32, #tpu.memory_space<vmem>> -> memref<1x128xi32, #tpu.memory_space<vmem>>
        %dma_start3A_477 = tpu.memref_squeeze %dma_start3A_476 : memref<1x128xi32, #tpu.memory_space<vmem>> -> memref<128xi32, #tpu.memory_space<vmem>>
        %dma_start3A_478 = arith.constant 0 : i32
        %dma_start3A_479 = arith.constant 0 : i32
        %dma_start3A_480 = tpu.memref_slice %arg3[%dma_start3A_478, %dma_start3A_479] : memref<1000000x32xf32, #tpu.memory_space<hbm>> -> memref<1000000x32xf32, #tpu.memory_space<hbm>>
        tpu.enqueue_indirect_dma source(%dma_start3A_480 : memref<1000000x32xf32, #tpu.memory_space<hbm>>) target(%dma_start3A_474 : memref<128x32xf32, #tpu.memory_space<vmem>>) offsets(%dma_start3A_477 : memref<128xi32, #tpu.memory_space<vmem>>) semaphore(%arg10 : memref<!tpu.dma_semaphore, #tpu.memory_space<semaphore_mem>>)
        %mul3A_481 = arith.constant 5 : i32
        %mul3A_482 = arith.muli %add3A_432, %mul3A_481 : i32
        %add3A_483 = arith.constant 3 : i32
        %add3A_484 = arith.addi %mul3A_482, %add3A_483 : i32
        %dma_start3A_485 = arith.constant 3 : i32
        %dma_start3A_486 = arith.constant 3 : i32
        %dma_start3A_487 = arith.constant 0 : i32
        %dma_start3A_488 = arith.constant 0 : i32
        %dma_start3A_489 = tpu.memref_slice %arg6[%dma_start3A_485, %dma_start3A_486, %dma_start3A_487, %dma_start3A_488] : memref<4x5x128x32xf32, #tpu.memory_space<vmem>> -> memref<1x1x128x32xf32, #tpu.memory_space<vmem>>
        %dma_start3A_490 = tpu.memref_squeeze %dma_start3A_489 : memref<1x1x128x32xf32, #tpu.memory_space<vmem>> -> memref<128x32xf32, #tpu.memory_space<vmem>>
        %dma_start3A_491 = arith.constant 0 : i32
        %dma_start3A_492 = tpu.memref_slice %arg5[%add3A_484, %dma_start3A_491] : memref<200x128xi32, #tpu.memory_space<vmem>> -> memref<1x128xi32, #tpu.memory_space<vmem>>
        %dma_start3A_493 = tpu.memref_squeeze %dma_start3A_492 : memref<1x128xi32, #tpu.memory_space<vmem>> -> memref<128xi32, #tpu.memory_space<vmem>>
        %dma_start3A_494 = arith.constant 0 : i32
        %dma_start3A_495 = arith.constant 0 : i32
        %dma_start3A_496 = tpu.memref_slice %arg3[%dma_start3A_494, %dma_start3A_495] : memref<1000000x32xf32, #tpu.memory_space<hbm>> -> memref<1000000x32xf32, #tpu.memory_space<hbm>>
        tpu.enqueue_indirect_dma source(%dma_start3A_496 : memref<1000000x32xf32, #tpu.memory_space<hbm>>) target(%dma_start3A_490 : memref<128x32xf32, #tpu.memory_space<vmem>>) offsets(%dma_start3A_493 : memref<128xi32, #tpu.memory_space<vmem>>) semaphore(%arg10 : memref<!tpu.dma_semaphore, #tpu.memory_space<semaphore_mem>>)
        %mul3A_497 = arith.constant 5 : i32
        %mul3A_498 = arith.muli %add3A_432, %mul3A_497 : i32
        %add3A_499 = arith.constant 4 : i32
        %add3A_500 = arith.addi %mul3A_498, %add3A_499 : i32
        %dma_start3A_501 = arith.constant 3 : i32
        %dma_start3A_502 = arith.constant 4 : i32
        %dma_start3A_503 = arith.constant 0 : i32
        %dma_start3A_504 = arith.constant 0 : i32
        %dma_start3A_505 = tpu.memref_slice %arg6[%dma_start3A_501, %dma_start3A_502, %dma_start3A_503, %dma_start3A_504] : memref<4x5x128x32xf32, #tpu.memory_space<vmem>> -> memref<1x1x128x32xf32, #tpu.memory_space<vmem>>
        %dma_start3A_506 = tpu.memref_squeeze %dma_start3A_505 : memref<1x1x128x32xf32, #tpu.memory_space<vmem>> -> memref<128x32xf32, #tpu.memory_space<vmem>>
        %dma_start3A_507 = arith.constant 0 : i32
        %dma_start3A_508 = tpu.memref_slice %arg5[%add3A_500, %dma_start3A_507] : memref<200x128xi32, #tpu.memory_space<vmem>> -> memref<1x128xi32, #tpu.memory_space<vmem>>
        %dma_start3A_509 = tpu.memref_squeeze %dma_start3A_508 : memref<1x128xi32, #tpu.memory_space<vmem>> -> memref<128xi32, #tpu.memory_space<vmem>>
        %dma_start3A_510 = arith.constant 0 : i32
        %dma_start3A_511 = arith.constant 0 : i32
        %dma_start3A_512 = tpu.memref_slice %arg3[%dma_start3A_510, %dma_start3A_511] : memref<1000000x32xf32, #tpu.memory_space<hbm>> -> memref<1000000x32xf32, #tpu.memory_space<hbm>>
        tpu.enqueue_indirect_dma source(%dma_start3A_512 : memref<1000000x32xf32, #tpu.memory_space<hbm>>) target(%dma_start3A_506 : memref<128x32xf32, #tpu.memory_space<vmem>>) offsets(%dma_start3A_509 : memref<128xi32, #tpu.memory_space<vmem>>) semaphore(%arg10 : memref<!tpu.dma_semaphore, #tpu.memory_space<semaphore_mem>>)
      } else {
      }
      %add3A_317 = arith.constant 2 : i32
      %add3A_318 = arith.addi %mul3A_208, %add3A_317 : i32
      %dma_wait3A_319 = arith.constant 0 : i32
      %dma_wait3A_320 = arith.constant 2 : i32
      %dma_wait3A_321 = arith.constant 0 : i32
      %dma_wait3A_322 = arith.constant 0 : i32
      %dma_wait3A_323 = arith.constant 0 : i32
      %dma_wait3A_324 = tpu.memref_slice %arg6[%dma_wait3A_320, %dma_wait3A_321, %dma_wait3A_322, %dma_wait3A_323] : memref<4x5x128x32xf32, #tpu.memory_space<vmem>> -> memref<1x5x128x32xf32, #tpu.memory_space<vmem>>
      %dma_wait3A_325 = tpu.memref_squeeze %dma_wait3A_324 : memref<1x5x128x32xf32, #tpu.memory_space<vmem>> -> memref<5x128x32xf32, #tpu.memory_space<vmem>>
      %dma_wait3A_326 = arith.constant 0 : i32
      %dma_wait3A_327 = arith.constant 0 : i32
      %dma_wait3A_328 = arith.constant 0 : i32
      %dma_wait3A_329 = tpu.memref_slice %arg4[%dma_wait3A_319, %dma_wait3A_326, %dma_wait3A_327, %dma_wait3A_328] : memref<32x200x128x32xf32, #tpu.memory_space<hbm>> -> memref<1x5x128x32xf32, #tpu.memory_space<hbm>>
      %dma_wait3A_330 = tpu.memref_squeeze %dma_wait3A_329 : memref<1x5x128x32xf32, #tpu.memory_space<hbm>> -> memref<5x128x32xf32, #tpu.memory_space<hbm>>
      %dma_wait3A_331 = arith.constant 0 : i32
      %dma_wait3A_332 = arith.constant 0 : i32
      %dma_wait3A_333 = arith.constant 0 : i32
      %dma_wait3A_334 = tpu.memref_slice %arg6[%dma_wait3A_320, %dma_wait3A_331, %dma_wait3A_332, %dma_wait3A_333] : memref<4x5x128x32xf32, #tpu.memory_space<vmem>> -> memref<1x5x128x32xf32, #tpu.memory_space<vmem>>
      %dma_wait3A_335 = tpu.memref_squeeze %dma_wait3A_334 : memref<1x5x128x32xf32, #tpu.memory_space<vmem>> -> memref<5x128x32xf32, #tpu.memory_space<vmem>>
      %dma_wait3A_336 = arith.constant 0 : i32
      %dma_wait3A_337 = arith.constant 0 : i32
      %dma_wait3A_338 = arith.constant 0 : i32
      %dma_wait3A_339 = tpu.memref_slice %arg4[%dma_wait3A_319, %dma_wait3A_336, %dma_wait3A_337, %dma_wait3A_338] : memref<32x200x128x32xf32, #tpu.memory_space<hbm>> -> memref<1x5x128x32xf32, #tpu.memory_space<hbm>>
      %dma_wait3A_340 = tpu.memref_squeeze %dma_wait3A_339 : memref<1x5x128x32xf32, #tpu.memory_space<hbm>> -> memref<5x128x32xf32, #tpu.memory_space<hbm>>
      tpu.wait_dma2 semaphore(%arg9 : memref<!tpu.dma_semaphore, #tpu.memory_space<semaphore_mem>>) src(%dma_wait3A_340 : memref<5x128x32xf32, #tpu.memory_space<hbm>>) dst(%dma_wait3A_335 : memref<5x128x32xf32, #tpu.memory_space<vmem>>)
      %ge3A_341 = arith.constant 2 : i32
      %ge3A_342 = arith.cmpi sge, %add3A_318, %ge3A_341 : i32
      %convert_element_type3A_343 = arith.extui %ge3A_342 : i1 to i32
      %cond3A_344 = arith.constant 0 : i32
      %cond3A_345 = arith.cmpi ne, %convert_element_type3A_343, %cond3A_344 : i32
      scf.if %cond3A_345 {
        %dma_wait3A_431 = arith.constant 0 : i32
        %dma_wait3A_432 = arith.constant 0 : i32
        %dma_wait3A_433 = arith.constant 0 : i32
        %dma_wait3A_434 = arith.constant 0 : i32
        %dma_wait3A_435 = arith.constant 0 : i32
        %dma_wait3A_436 = tpu.memref_slice %arg6[%dma_wait3A_431, %dma_wait3A_433, %dma_wait3A_434, %dma_wait3A_435] : memref<4x5x128x32xf32, #tpu.memory_space<vmem>> -> memref<1x5x128x32xf32, #tpu.memory_space<vmem>>
        %dma_wait3A_437 = tpu.memref_squeeze %dma_wait3A_436 : memref<1x5x128x32xf32, #tpu.memory_space<vmem>> -> memref<5x128x32xf32, #tpu.memory_space<vmem>>
        %dma_wait3A_438 = arith.constant 0 : i32
        %dma_wait3A_439 = arith.constant 0 : i32
        %dma_wait3A_440 = arith.constant 0 : i32
        %dma_wait3A_441 = tpu.memref_slice %arg4[%dma_wait3A_432, %dma_wait3A_438, %dma_wait3A_439, %dma_wait3A_440] : memref<32x200x128x32xf32, #tpu.memory_space<hbm>> -> memref<1x5x128x32xf32, #tpu.memory_space<hbm>>
        %dma_wait3A_442 = tpu.memref_squeeze %dma_wait3A_441 : memref<1x5x128x32xf32, #tpu.memory_space<hbm>> -> memref<5x128x32xf32, #tpu.memory_space<hbm>>
        %dma_wait3A_443 = arith.constant 0 : i32
        %dma_wait3A_444 = arith.constant 0 : i32
        %dma_wait3A_445 = arith.constant 0 : i32
        %dma_wait3A_446 = tpu.memref_slice %arg4[%dma_wait3A_432, %dma_wait3A_443, %dma_wait3A_444, %dma_wait3A_445] : memref<32x200x128x32xf32, #tpu.memory_space<hbm>> -> memref<1x5x128x32xf32, #tpu.memory_space<hbm>>
        %dma_wait3A_447 = tpu.memref_squeeze %dma_wait3A_446 : memref<1x5x128x32xf32, #tpu.memory_space<hbm>> -> memref<5x128x32xf32, #tpu.memory_space<hbm>>
        %dma_wait3A_448 = arith.constant 0 : i32
        %dma_wait3A_449 = arith.constant 0 : i32
        %dma_wait3A_450 = arith.constant 0 : i32
        %dma_wait3A_451 = tpu.memref_slice %arg6[%dma_wait3A_431, %dma_wait3A_448, %dma_wait3A_449, %dma_wait3A_450] : memref<4x5x128x32xf32, #tpu.memory_space<vmem>> -> memref<1x5x128x32xf32, #tpu.memory_space<vmem>>
        %dma_wait3A_452 = tpu.memref_squeeze %dma_wait3A_451 : memref<1x5x128x32xf32, #tpu.memory_space<vmem>> -> memref<5x128x32xf32, #tpu.memory_space<vmem>>
        tpu.wait_dma2 semaphore(%arg11 : memref<!tpu.dma_semaphore, #tpu.memory_space<semaphore_mem>>) src(%dma_wait3A_452 : memref<5x128x32xf32, #tpu.memory_space<vmem>>) dst(%dma_wait3A_447 : memref<5x128x32xf32, #tpu.memory_space<hbm>>)
      } else {
      }
      %mul3A_346 = arith.constant 5 : i32
      %mul3A_347 = arith.muli %add3A_318, %mul3A_346 : i32
      %dma_start3A_348 = arith.constant 2 : i32
      %dma_start3A_349 = arith.constant 0 : i32
      %dma_start3A_350 = arith.constant 0 : i32
      %dma_start3A_351 = arith.constant 0 : i32
      %dma_start3A_352 = tpu.memref_slice %arg6[%dma_start3A_348, %dma_start3A_349, %dma_start3A_350, %dma_start3A_351] : memref<4x5x128x32xf32, #tpu.memory_space<vmem>> -> memref<1x5x128x32xf32, #tpu.memory_space<vmem>>
      %dma_start3A_353 = tpu.memref_squeeze %dma_start3A_352 : memref<1x5x128x32xf32, #tpu.memory_space<vmem>> -> memref<5x128x32xf32, #tpu.memory_space<vmem>>
      %dma_start3A_354 = arith.constant 0 : i32
      %dma_start3A_355 = arith.constant 0 : i32
      %dma_start3A_356 = tpu.memref_slice %arg4[%add3A, %mul3A_347, %dma_start3A_354, %dma_start3A_355] : memref<32x200x128x32xf32, #tpu.memory_space<hbm>> -> memref<1x5x128x32xf32, #tpu.memory_space<hbm>>
      %dma_start3A_357 = tpu.memref_squeeze %dma_start3A_356 : memref<1x5x128x32xf32, #tpu.memory_space<hbm>> -> memref<5x128x32xf32, #tpu.memory_space<hbm>>
      %dma_start3A_358 = arith.constant 0 : i32
      %dma_start3A_359 = arith.constant 0 : i32
      %dma_start3A_360 = tpu.memref_slice %arg4[%add3A, %mul3A_347, %dma_start3A_358, %dma_start3A_359] : memref<32x200x128x32xf32, #tpu.memory_space<hbm>> -> memref<1x5x128x32xf32, #tpu.memory_space<hbm>>
      %dma_start3A_361 = tpu.memref_squeeze %dma_start3A_360 : memref<1x5x128x32xf32, #tpu.memory_space<hbm>> -> memref<5x128x32xf32, #tpu.memory_space<hbm>>
      %dma_start3A_362 = arith.constant 0 : i32
      %dma_start3A_363 = arith.constant 0 : i32
      %dma_start3A_364 = arith.constant 0 : i32
      %dma_start3A_365 = tpu.memref_slice %arg6[%dma_start3A_348, %dma_start3A_362, %dma_start3A_363, %dma_start3A_364] : memref<4x5x128x32xf32, #tpu.memory_space<vmem>> -> memref<1x5x128x32xf32, #tpu.memory_space<vmem>>
      %dma_start3A_366 = tpu.memref_squeeze %dma_start3A_365 : memref<1x5x128x32xf32, #tpu.memory_space<vmem>> -> memref<5x128x32xf32, #tpu.memory_space<vmem>>
      tpu.enqueue_dma source(%dma_start3A_366 : memref<5x128x32xf32, #tpu.memory_space<vmem>>) target(%dma_start3A_361 : memref<5x128x32xf32, #tpu.memory_space<hbm>>) target_semaphore(%arg11 : memref<!tpu.dma_semaphore, #tpu.memory_space<semaphore_mem>>)
      %add3A_367 = arith.constant 2 : i32
      %add3A_368 = arith.addi %add3A_318, %add3A_367 : i32
      %lt3A_369 = arith.constant 40 : i32
      %lt3A_370 = arith.cmpi slt, %add3A_368, %lt3A_369 : i32
      %convert_element_type3A_371 = arith.extui %lt3A_370 : i1 to i32
      %cond3A_372 = arith.constant 0 : i32
      %cond3A_373 = arith.cmpi ne, %convert_element_type3A_371, %cond3A_372 : i32
      scf.if %cond3A_373 {
        %add3A_431 = arith.constant 2 : i32
        %add3A_432 = arith.addi %add3A_318, %add3A_431 : i32
        %mul3A_433 = arith.constant 5 : i32
        %mul3A_434 = arith.muli %add3A_432, %mul3A_433 : i32
        %add3A_435 = arith.constant 0 : i32
        %add3A_436 = arith.addi %mul3A_434, %add3A_435 : i32
        %dma_start3A_437 = arith.constant 0 : i32
        %dma_start3A_438 = arith.constant 0 : i32
        %dma_start3A_439 = arith.constant 0 : i32
        %dma_start3A_440 = arith.constant 0 : i32
        %dma_start3A_441 = tpu.memref_slice %arg6[%dma_start3A_437, %dma_start3A_438, %dma_start3A_439, %dma_start3A_440] : memref<4x5x128x32xf32, #tpu.memory_space<vmem>> -> memref<1x1x128x32xf32, #tpu.memory_space<vmem>>
        %dma_start3A_442 = tpu.memref_squeeze %dma_start3A_441 : memref<1x1x128x32xf32, #tpu.memory_space<vmem>> -> memref<128x32xf32, #tpu.memory_space<vmem>>
        %dma_start3A_443 = arith.constant 0 : i32
        %dma_start3A_444 = tpu.memref_slice %arg5[%add3A_436, %dma_start3A_443] : memref<200x128xi32, #tpu.memory_space<vmem>> -> memref<1x128xi32, #tpu.memory_space<vmem>>
        %dma_start3A_445 = tpu.memref_squeeze %dma_start3A_444 : memref<1x128xi32, #tpu.memory_space<vmem>> -> memref<128xi32, #tpu.memory_space<vmem>>
        %dma_start3A_446 = arith.constant 0 : i32
        %dma_start3A_447 = arith.constant 0 : i32
        %dma_start3A_448 = tpu.memref_slice %arg3[%dma_start3A_446, %dma_start3A_447] : memref<1000000x32xf32, #tpu.memory_space<hbm>> -> memref<1000000x32xf32, #tpu.memory_space<hbm>>
        tpu.enqueue_indirect_dma source(%dma_start3A_448 : memref<1000000x32xf32, #tpu.memory_space<hbm>>) target(%dma_start3A_442 : memref<128x32xf32, #tpu.memory_space<vmem>>) offsets(%dma_start3A_445 : memref<128xi32, #tpu.memory_space<vmem>>) semaphore(%arg7 : memref<!tpu.dma_semaphore, #tpu.memory_space<semaphore_mem>>)
        %mul3A_449 = arith.constant 5 : i32
        %mul3A_450 = arith.muli %add3A_432, %mul3A_449 : i32
        %add3A_451 = arith.constant 1 : i32
        %add3A_452 = arith.addi %mul3A_450, %add3A_451 : i32
        %dma_start3A_453 = arith.constant 0 : i32
        %dma_start3A_454 = arith.constant 1 : i32
        %dma_start3A_455 = arith.constant 0 : i32
        %dma_start3A_456 = arith.constant 0 : i32
        %dma_start3A_457 = tpu.memref_slice %arg6[%dma_start3A_453, %dma_start3A_454, %dma_start3A_455, %dma_start3A_456] : memref<4x5x128x32xf32, #tpu.memory_space<vmem>> -> memref<1x1x128x32xf32, #tpu.memory_space<vmem>>
        %dma_start3A_458 = tpu.memref_squeeze %dma_start3A_457 : memref<1x1x128x32xf32, #tpu.memory_space<vmem>> -> memref<128x32xf32, #tpu.memory_space<vmem>>
        %dma_start3A_459 = arith.constant 0 : i32
        %dma_start3A_460 = tpu.memref_slice %arg5[%add3A_452, %dma_start3A_459] : memref<200x128xi32, #tpu.memory_space<vmem>> -> memref<1x128xi32, #tpu.memory_space<vmem>>
        %dma_start3A_461 = tpu.memref_squeeze %dma_start3A_460 : memref<1x128xi32, #tpu.memory_space<vmem>> -> memref<128xi32, #tpu.memory_space<vmem>>
        %dma_start3A_462 = arith.constant 0 : i32
        %dma_start3A_463 = arith.constant 0 : i32
        %dma_start3A_464 = tpu.memref_slice %arg3[%dma_start3A_462, %dma_start3A_463] : memref<1000000x32xf32, #tpu.memory_space<hbm>> -> memref<1000000x32xf32, #tpu.memory_space<hbm>>
        tpu.enqueue_indirect_dma source(%dma_start3A_464 : memref<1000000x32xf32, #tpu.memory_space<hbm>>) target(%dma_start3A_458 : memref<128x32xf32, #tpu.memory_space<vmem>>) offsets(%dma_start3A_461 : memref<128xi32, #tpu.memory_space<vmem>>) semaphore(%arg7 : memref<!tpu.dma_semaphore, #tpu.memory_space<semaphore_mem>>)
        %mul3A_465 = arith.constant 5 : i32
        %mul3A_466 = arith.muli %add3A_432, %mul3A_465 : i32
        %add3A_467 = arith.constant 2 : i32
        %add3A_468 = arith.addi %mul3A_466, %add3A_467 : i32
        %dma_start3A_469 = arith.constant 0 : i32
        %dma_start3A_470 = arith.constant 2 : i32
        %dma_start3A_471 = arith.constant 0 : i32
        %dma_start3A_472 = arith.constant 0 : i32
        %dma_start3A_473 = tpu.memref_slice %arg6[%dma_start3A_469, %dma_start3A_470, %dma_start3A_471, %dma_start3A_472] : memref<4x5x128x32xf32, #tpu.memory_space<vmem>> -> memref<1x1x128x32xf32, #tpu.memory_space<vmem>>
        %dma_start3A_474 = tpu.memref_squeeze %dma_start3A_473 : memref<1x1x128x32xf32, #tpu.memory_space<vmem>> -> memref<128x32xf32, #tpu.memory_space<vmem>>
        %dma_start3A_475 = arith.constant 0 : i32
        %dma_start3A_476 = tpu.memref_slice %arg5[%add3A_468, %dma_start3A_475] : memref<200x128xi32, #tpu.memory_space<vmem>> -> memref<1x128xi32, #tpu.memory_space<vmem>>
        %dma_start3A_477 = tpu.memref_squeeze %dma_start3A_476 : memref<1x128xi32, #tpu.memory_space<vmem>> -> memref<128xi32, #tpu.memory_space<vmem>>
        %dma_start3A_478 = arith.constant 0 : i32
        %dma_start3A_479 = arith.constant 0 : i32
        %dma_start3A_480 = tpu.memref_slice %arg3[%dma_start3A_478, %dma_start3A_479] : memref<1000000x32xf32, #tpu.memory_space<hbm>> -> memref<1000000x32xf32, #tpu.memory_space<hbm>>
        tpu.enqueue_indirect_dma source(%dma_start3A_480 : memref<1000000x32xf32, #tpu.memory_space<hbm>>) target(%dma_start3A_474 : memref<128x32xf32, #tpu.memory_space<vmem>>) offsets(%dma_start3A_477 : memref<128xi32, #tpu.memory_space<vmem>>) semaphore(%arg7 : memref<!tpu.dma_semaphore, #tpu.memory_space<semaphore_mem>>)
        %mul3A_481 = arith.constant 5 : i32
        %mul3A_482 = arith.muli %add3A_432, %mul3A_481 : i32
        %add3A_483 = arith.constant 3 : i32
        %add3A_484 = arith.addi %mul3A_482, %add3A_483 : i32
        %dma_start3A_485 = arith.constant 0 : i32
        %dma_start3A_486 = arith.constant 3 : i32
        %dma_start3A_487 = arith.constant 0 : i32
        %dma_start3A_488 = arith.constant 0 : i32
        %dma_start3A_489 = tpu.memref_slice %arg6[%dma_start3A_485, %dma_start3A_486, %dma_start3A_487, %dma_start3A_488] : memref<4x5x128x32xf32, #tpu.memory_space<vmem>> -> memref<1x1x128x32xf32, #tpu.memory_space<vmem>>
        %dma_start3A_490 = tpu.memref_squeeze %dma_start3A_489 : memref<1x1x128x32xf32, #tpu.memory_space<vmem>> -> memref<128x32xf32, #tpu.memory_space<vmem>>
        %dma_start3A_491 = arith.constant 0 : i32
        %dma_start3A_492 = tpu.memref_slice %arg5[%add3A_484, %dma_start3A_491] : memref<200x128xi32, #tpu.memory_space<vmem>> -> memref<1x128xi32, #tpu.memory_space<vmem>>
        %dma_start3A_493 = tpu.memref_squeeze %dma_start3A_492 : memref<1x128xi32, #tpu.memory_space<vmem>> -> memref<128xi32, #tpu.memory_space<vmem>>
        %dma_start3A_494 = arith.constant 0 : i32
        %dma_start3A_495 = arith.constant 0 : i32
        %dma_start3A_496 = tpu.memref_slice %arg3[%dma_start3A_494, %dma_start3A_495] : memref<1000000x32xf32, #tpu.memory_space<hbm>> -> memref<1000000x32xf32, #tpu.memory_space<hbm>>
        tpu.enqueue_indirect_dma source(%dma_start3A_496 : memref<1000000x32xf32, #tpu.memory_space<hbm>>) target(%dma_start3A_490 : memref<128x32xf32, #tpu.memory_space<vmem>>) offsets(%dma_start3A_493 : memref<128xi32, #tpu.memory_space<vmem>>) semaphore(%arg7 : memref<!tpu.dma_semaphore, #tpu.memory_space<semaphore_mem>>)
        %mul3A_497 = arith.constant 5 : i32
        %mul3A_498 = arith.muli %add3A_432, %mul3A_497 : i32
        %add3A_499 = arith.constant 4 : i32
        %add3A_500 = arith.addi %mul3A_498, %add3A_499 : i32
        %dma_start3A_501 = arith.constant 0 : i32
        %dma_start3A_502 = arith.constant 4 : i32
        %dma_start3A_503 = arith.constant 0 : i32
        %dma_start3A_504 = arith.constant 0 : i32
        %dma_start3A_505 = tpu.memref_slice %arg6[%dma_start3A_501, %dma_start3A_502, %dma_start3A_503, %dma_start3A_504] : memref<4x5x128x32xf32, #tpu.memory_space<vmem>> -> memref<1x1x128x32xf32, #tpu.memory_space<vmem>>
        %dma_start3A_506 = tpu.memref_squeeze %dma_start3A_505 : memref<1x1x128x32xf32, #tpu.memory_space<vmem>> -> memref<128x32xf32, #tpu.memory_space<vmem>>
        %dma_start3A_507 = arith.constant 0 : i32
        %dma_start3A_508 = tpu.memref_slice %arg5[%add3A_500, %dma_start3A_507] : memref<200x128xi32, #tpu.memory_space<vmem>> -> memref<1x128xi32, #tpu.memory_space<vmem>>
        %dma_start3A_509 = tpu.memref_squeeze %dma_start3A_508 : memref<1x128xi32, #tpu.memory_space<vmem>> -> memref<128xi32, #tpu.memory_space<vmem>>
        %dma_start3A_510 = arith.constant 0 : i32
        %dma_start3A_511 = arith.constant 0 : i32
        %dma_start3A_512 = tpu.memref_slice %arg3[%dma_start3A_510, %dma_start3A_511] : memref<1000000x32xf32, #tpu.memory_space<hbm>> -> memref<1000000x32xf32, #tpu.memory_space<hbm>>
        tpu.enqueue_indirect_dma source(%dma_start3A_512 : memref<1000000x32xf32, #tpu.memory_space<hbm>>) target(%dma_start3A_506 : memref<128x32xf32, #tpu.memory_space<vmem>>) offsets(%dma_start3A_509 : memref<128xi32, #tpu.memory_space<vmem>>) semaphore(%arg7 : memref<!tpu.dma_semaphore, #tpu.memory_space<semaphore_mem>>)
      } else {
      }
      %add3A_374 = arith.constant 3 : i32
      %add3A_375 = arith.addi %mul3A_208, %add3A_374 : i32
      %dma_wait3A_376 = arith.constant 0 : i32
      %dma_wait3A_377 = arith.constant 3 : i32
      %dma_wait3A_378 = arith.constant 0 : i32
      %dma_wait3A_379 = arith.constant 0 : i32
      %dma_wait3A_380 = arith.constant 0 : i32
      %dma_wait3A_381 = tpu.memref_slice %arg6[%dma_wait3A_377, %dma_wait3A_378, %dma_wait3A_379, %dma_wait3A_380] : memref<4x5x128x32xf32, #tpu.memory_space<vmem>> -> memref<1x5x128x32xf32, #tpu.memory_space<vmem>>
      %dma_wait3A_382 = tpu.memref_squeeze %dma_wait3A_381 : memref<1x5x128x32xf32, #tpu.memory_space<vmem>> -> memref<5x128x32xf32, #tpu.memory_space<vmem>>
      %dma_wait3A_383 = arith.constant 0 : i32
      %dma_wait3A_384 = arith.constant 0 : i32
      %dma_wait3A_385 = arith.constant 0 : i32
      %dma_wait3A_386 = tpu.memref_slice %arg4[%dma_wait3A_376, %dma_wait3A_383, %dma_wait3A_384, %dma_wait3A_385] : memref<32x200x128x32xf32, #tpu.memory_space<hbm>> -> memref<1x5x128x32xf32, #tpu.memory_space<hbm>>
      %dma_wait3A_387 = tpu.memref_squeeze %dma_wait3A_386 : memref<1x5x128x32xf32, #tpu.memory_space<hbm>> -> memref<5x128x32xf32, #tpu.memory_space<hbm>>
      %dma_wait3A_388 = arith.constant 0 : i32
      %dma_wait3A_389 = arith.constant 0 : i32
      %dma_wait3A_390 = arith.constant 0 : i32
      %dma_wait3A_391 = tpu.memref_slice %arg6[%dma_wait3A_377, %dma_wait3A_388, %dma_wait3A_389, %dma_wait3A_390] : memref<4x5x128x32xf32, #tpu.memory_space<vmem>> -> memref<1x5x128x32xf32, #tpu.memory_space<vmem>>
      %dma_wait3A_392 = tpu.memref_squeeze %dma_wait3A_391 : memref<1x5x128x32xf32, #tpu.memory_space<vmem>> -> memref<5x128x32xf32, #tpu.memory_space<vmem>>
      %dma_wait3A_393 = arith.constant 0 : i32
      %dma_wait3A_394 = arith.constant 0 : i32
      %dma_wait3A_395 = arith.constant 0 : i32
      %dma_wait3A_396 = tpu.memref_slice %arg4[%dma_wait3A_376, %dma_wait3A_393, %dma_wait3A_394, %dma_wait3A_395] : memref<32x200x128x32xf32, #tpu.memory_space<hbm>> -> memref<1x5x128x32xf32, #tpu.memory_space<hbm>>
      %dma_wait3A_397 = tpu.memref_squeeze %dma_wait3A_396 : memref<1x5x128x32xf32, #tpu.memory_space<hbm>> -> memref<5x128x32xf32, #tpu.memory_space<hbm>>
      tpu.wait_dma2 semaphore(%arg10 : memref<!tpu.dma_semaphore, #tpu.memory_space<semaphore_mem>>) src(%dma_wait3A_397 : memref<5x128x32xf32, #tpu.memory_space<hbm>>) dst(%dma_wait3A_392 : memref<5x128x32xf32, #tpu.memory_space<vmem>>)
      %ge3A_398 = arith.constant 2 : i32
      %ge3A_399 = arith.cmpi sge, %add3A_375, %ge3A_398 : i32
      %convert_element_type3A_400 = arith.extui %ge3A_399 : i1 to i32
      %cond3A_401 = arith.constant 0 : i32
      %cond3A_402 = arith.cmpi ne, %convert_element_type3A_400, %cond3A_401 : i32
      scf.if %cond3A_402 {
        %dma_wait3A_431 = arith.constant 0 : i32
        %dma_wait3A_432 = arith.constant 0 : i32
        %dma_wait3A_433 = arith.constant 0 : i32
        %dma_wait3A_434 = arith.constant 0 : i32
        %dma_wait3A_435 = arith.constant 0 : i32
        %dma_wait3A_436 = tpu.memref_slice %arg6[%dma_wait3A_431, %dma_wait3A_433, %dma_wait3A_434, %dma_wait3A_435] : memref<4x5x128x32xf32, #tpu.memory_space<vmem>> -> memref<1x5x128x32xf32, #tpu.memory_space<vmem>>
        %dma_wait3A_437 = tpu.memref_squeeze %dma_wait3A_436 : memref<1x5x128x32xf32, #tpu.memory_space<vmem>> -> memref<5x128x32xf32, #tpu.memory_space<vmem>>
        %dma_wait3A_438 = arith.constant 0 : i32
        %dma_wait3A_439 = arith.constant 0 : i32
        %dma_wait3A_440 = arith.constant 0 : i32
        %dma_wait3A_441 = tpu.memref_slice %arg4[%dma_wait3A_432, %dma_wait3A_438, %dma_wait3A_439, %dma_wait3A_440] : memref<32x200x128x32xf32, #tpu.memory_space<hbm>> -> memref<1x5x128x32xf32, #tpu.memory_space<hbm>>
        %dma_wait3A_442 = tpu.memref_squeeze %dma_wait3A_441 : memref<1x5x128x32xf32, #tpu.memory_space<hbm>> -> memref<5x128x32xf32, #tpu.memory_space<hbm>>
        %dma_wait3A_443 = arith.constant 0 : i32
        %dma_wait3A_444 = arith.constant 0 : i32
        %dma_wait3A_445 = arith.constant 0 : i32
        %dma_wait3A_446 = tpu.memref_slice %arg4[%dma_wait3A_432, %dma_wait3A_443, %dma_wait3A_444, %dma_wait3A_445] : memref<32x200x128x32xf32, #tpu.memory_space<hbm>> -> memref<1x5x128x32xf32, #tpu.memory_space<hbm>>
        %dma_wait3A_447 = tpu.memref_squeeze %dma_wait3A_446 : memref<1x5x128x32xf32, #tpu.memory_space<hbm>> -> memref<5x128x32xf32, #tpu.memory_space<hbm>>
        %dma_wait3A_448 = arith.constant 0 : i32
        %dma_wait3A_449 = arith.constant 0 : i32
        %dma_wait3A_450 = arith.constant 0 : i32
        %dma_wait3A_451 = tpu.memref_slice %arg6[%dma_wait3A_431, %dma_wait3A_448, %dma_wait3A_449, %dma_wait3A_450] : memref<4x5x128x32xf32, #tpu.memory_space<vmem>> -> memref<1x5x128x32xf32, #tpu.memory_space<vmem>>
        %dma_wait3A_452 = tpu.memref_squeeze %dma_wait3A_451 : memref<1x5x128x32xf32, #tpu.memory_space<vmem>> -> memref<5x128x32xf32, #tpu.memory_space<vmem>>
        tpu.wait_dma2 semaphore(%arg12 : memref<!tpu.dma_semaphore, #tpu.memory_space<semaphore_mem>>) src(%dma_wait3A_452 : memref<5x128x32xf32, #tpu.memory_space<vmem>>) dst(%dma_wait3A_447 : memref<5x128x32xf32, #tpu.memory_space<hbm>>)
      } else {
      }
      %mul3A_403 = arith.constant 5 : i32
      %mul3A_404 = arith.muli %add3A_375, %mul3A_403 : i32
      %dma_start3A_405 = arith.constant 3 : i32
      %dma_start3A_406 = arith.constant 0 : i32
      %dma_start3A_407 = arith.constant 0 : i32
      %dma_start3A_408 = arith.constant 0 : i32
      %dma_start3A_409 = tpu.memref_slice %arg6[%dma_start3A_405, %dma_start3A_406, %dma_start3A_407, %dma_start3A_408] : memref<4x5x128x32xf32, #tpu.memory_space<vmem>> -> memref<1x5x128x32xf32, #tpu.memory_space<vmem>>
      %dma_start3A_410 = tpu.memref_squeeze %dma_start3A_409 : memref<1x5x128x32xf32, #tpu.memory_space<vmem>> -> memref<5x128x32xf32, #tpu.memory_space<vmem>>
      %dma_start3A_411 = arith.constant 0 : i32
      %dma_start3A_412 = arith.constant 0 : i32
      %dma_start3A_413 = tpu.memref_slice %arg4[%add3A, %mul3A_404, %dma_start3A_411, %dma_start3A_412] : memref<32x200x128x32xf32, #tpu.memory_space<hbm>> -> memref<1x5x128x32xf32, #tpu.memory_space<hbm>>
      %dma_start3A_414 = tpu.memref_squeeze %dma_start3A_413 : memref<1x5x128x32xf32, #tpu.memory_space<hbm>> -> memref<5x128x32xf32, #tpu.memory_space<hbm>>
      %dma_start3A_415 = arith.constant 0 : i32
      %dma_start3A_416 = arith.constant 0 : i32
      %dma_start3A_417 = tpu.memref_slice %arg4[%add3A, %mul3A_404, %dma_start3A_415, %dma_start3A_416] : memref<32x200x128x32xf32, #tpu.memory_space<hbm>> -> memref<1x5x128x32xf32, #tpu.memory_space<hbm>>
      %dma_start3A_418 = tpu.memref_squeeze %dma_start3A_417 : memref<1x5x128x32xf32, #tpu.memory_space<hbm>> -> memref<5x128x32xf32, #tpu.memory_space<hbm>>
      %dma_start3A_419 = arith.constant 0 : i32
      %dma_start3A_420 = arith.constant 0 : i32
      %dma_start3A_421 = arith.constant 0 : i32
      %dma_start3A_422 = tpu.memref_slice %arg6[%dma_start3A_405, %dma_start3A_419, %dma_start3A_420, %dma_start3A_421] : memref<4x5x128x32xf32, #tpu.memory_space<vmem>> -> memref<1x5x128x32xf32, #tpu.memory_space<vmem>>
      %dma_start3A_423 = tpu.memref_squeeze %dma_start3A_422 : memref<1x5x128x32xf32, #tpu.memory_space<vmem>> -> memref<5x128x32xf32, #tpu.memory_space<vmem>>
      tpu.enqueue_dma source(%dma_start3A_423 : memref<5x128x32xf32, #tpu.memory_space<vmem>>) target(%dma_start3A_418 : memref<5x128x32xf32, #tpu.memory_space<hbm>>) target_semaphore(%arg12 : memref<!tpu.dma_semaphore, #tpu.memory_space<semaphore_mem>>)
      %add3A_424 = arith.constant 2 : i32
      %add3A_425 = arith.addi %add3A_375, %add3A_424 : i32
      %lt3A_426 = arith.constant 40 : i32
      %lt3A_427 = arith.cmpi slt, %add3A_425, %lt3A_426 : i32
      %convert_element_type3A_428 = arith.extui %lt3A_427 : i1 to i32
      %cond3A_429 = arith.constant 0 : i32
      %cond3A_430 = arith.cmpi ne, %convert_element_type3A_428, %cond3A_429 : i32
      scf.if %cond3A_430 {
        %add3A_431 = arith.constant 2 : i32
        %add3A_432 = arith.addi %add3A_375, %add3A_431 : i32
        %mul3A_433 = arith.constant 5 : i32
        %mul3A_434 = arith.muli %add3A_432, %mul3A_433 : i32
        %add3A_435 = arith.constant 0 : i32
        %add3A_436 = arith.addi %mul3A_434, %add3A_435 : i32
        %dma_start3A_437 = arith.constant 1 : i32
        %dma_start3A_438 = arith.constant 0 : i32
        %dma_start3A_439 = arith.constant 0 : i32
        %dma_start3A_440 = arith.constant 0 : i32
        %dma_start3A_441 = tpu.memref_slice %arg6[%dma_start3A_437, %dma_start3A_438, %dma_start3A_439, %dma_start3A_440] : memref<4x5x128x32xf32, #tpu.memory_space<vmem>> -> memref<1x1x128x32xf32, #tpu.memory_space<vmem>>
        %dma_start3A_442 = tpu.memref_squeeze %dma_start3A_441 : memref<1x1x128x32xf32, #tpu.memory_space<vmem>> -> memref<128x32xf32, #tpu.memory_space<vmem>>
        %dma_start3A_443 = arith.constant 0 : i32
        %dma_start3A_444 = tpu.memref_slice %arg5[%add3A_436, %dma_start3A_443] : memref<200x128xi32, #tpu.memory_space<vmem>> -> memref<1x128xi32, #tpu.memory_space<vmem>>
        %dma_start3A_445 = tpu.memref_squeeze %dma_start3A_444 : memref<1x128xi32, #tpu.memory_space<vmem>> -> memref<128xi32, #tpu.memory_space<vmem>>
        %dma_start3A_446 = arith.constant 0 : i32
        %dma_start3A_447 = arith.constant 0 : i32
        %dma_start3A_448 = tpu.memref_slice %arg3[%dma_start3A_446, %dma_start3A_447] : memref<1000000x32xf32, #tpu.memory_space<hbm>> -> memref<1000000x32xf32, #tpu.memory_space<hbm>>
        tpu.enqueue_indirect_dma source(%dma_start3A_448 : memref<1000000x32xf32, #tpu.memory_space<hbm>>) target(%dma_start3A_442 : memref<128x32xf32, #tpu.memory_space<vmem>>) offsets(%dma_start3A_445 : memref<128xi32, #tpu.memory_space<vmem>>) semaphore(%arg8 : memref<!tpu.dma_semaphore, #tpu.memory_space<semaphore_mem>>)
        %mul3A_449 = arith.constant 5 : i32
        %mul3A_450 = arith.muli %add3A_432, %mul3A_449 : i32
        %add3A_451 = arith.constant 1 : i32
        %add3A_452 = arith.addi %mul3A_450, %add3A_451 : i32
        %dma_start3A_453 = arith.constant 1 : i32
        %dma_start3A_454 = arith.constant 1 : i32
        %dma_start3A_455 = arith.constant 0 : i32
        %dma_start3A_456 = arith.constant 0 : i32
        %dma_start3A_457 = tpu.memref_slice %arg6[%dma_start3A_453, %dma_start3A_454, %dma_start3A_455, %dma_start3A_456] : memref<4x5x128x32xf32, #tpu.memory_space<vmem>> -> memref<1x1x128x32xf32, #tpu.memory_space<vmem>>
        %dma_start3A_458 = tpu.memref_squeeze %dma_start3A_457 : memref<1x1x128x32xf32, #tpu.memory_space<vmem>> -> memref<128x32xf32, #tpu.memory_space<vmem>>
        %dma_start3A_459 = arith.constant 0 : i32
        %dma_start3A_460 = tpu.memref_slice %arg5[%add3A_452, %dma_start3A_459] : memref<200x128xi32, #tpu.memory_space<vmem>> -> memref<1x128xi32, #tpu.memory_space<vmem>>
        %dma_start3A_461 = tpu.memref_squeeze %dma_start3A_460 : memref<1x128xi32, #tpu.memory_space<vmem>> -> memref<128xi32, #tpu.memory_space<vmem>>
        %dma_start3A_462 = arith.constant 0 : i32
        %dma_start3A_463 = arith.constant 0 : i32
        %dma_start3A_464 = tpu.memref_slice %arg3[%dma_start3A_462, %dma_start3A_463] : memref<1000000x32xf32, #tpu.memory_space<hbm>> -> memref<1000000x32xf32, #tpu.memory_space<hbm>>
        tpu.enqueue_indirect_dma source(%dma_start3A_464 : memref<1000000x32xf32, #tpu.memory_space<hbm>>) target(%dma_start3A_458 : memref<128x32xf32, #tpu.memory_space<vmem>>) offsets(%dma_start3A_461 : memref<128xi32, #tpu.memory_space<vmem>>) semaphore(%arg8 : memref<!tpu.dma_semaphore, #tpu.memory_space<semaphore_mem>>)
        %mul3A_465 = arith.constant 5 : i32
        %mul3A_466 = arith.muli %add3A_432, %mul3A_465 : i32
        %add3A_467 = arith.constant 2 : i32
        %add3A_468 = arith.addi %mul3A_466, %add3A_467 : i32
        %dma_start3A_469 = arith.constant 1 : i32
        %dma_start3A_470 = arith.constant 2 : i32
        %dma_start3A_471 = arith.constant 0 : i32
        %dma_start3A_472 = arith.constant 0 : i32
        %dma_start3A_473 = tpu.memref_slice %arg6[%dma_start3A_469, %dma_start3A_470, %dma_start3A_471, %dma_start3A_472] : memref<4x5x128x32xf32, #tpu.memory_space<vmem>> -> memref<1x1x128x32xf32, #tpu.memory_space<vmem>>
        %dma_start3A_474 = tpu.memref_squeeze %dma_start3A_473 : memref<1x1x128x32xf32, #tpu.memory_space<vmem>> -> memref<128x32xf32, #tpu.memory_space<vmem>>
        %dma_start3A_475 = arith.constant 0 : i32
        %dma_start3A_476 = tpu.memref_slice %arg5[%add3A_468, %dma_start3A_475] : memref<200x128xi32, #tpu.memory_space<vmem>> -> memref<1x128xi32, #tpu.memory_space<vmem>>
        %dma_start3A_477 = tpu.memref_squeeze %dma_start3A_476 : memref<1x128xi32, #tpu.memory_space<vmem>> -> memref<128xi32, #tpu.memory_space<vmem>>
        %dma_start3A_478 = arith.constant 0 : i32
        %dma_start3A_479 = arith.constant 0 : i32
        %dma_start3A_480 = tpu.memref_slice %arg3[%dma_start3A_478, %dma_start3A_479] : memref<1000000x32xf32, #tpu.memory_space<hbm>> -> memref<1000000x32xf32, #tpu.memory_space<hbm>>
        tpu.enqueue_indirect_dma source(%dma_start3A_480 : memref<1000000x32xf32, #tpu.memory_space<hbm>>) target(%dma_start3A_474 : memref<128x32xf32, #tpu.memory_space<vmem>>) offsets(%dma_start3A_477 : memref<128xi32, #tpu.memory_space<vmem>>) semaphore(%arg8 : memref<!tpu.dma_semaphore, #tpu.memory_space<semaphore_mem>>)
        %mul3A_481 = arith.constant 5 : i32
        %mul3A_482 = arith.muli %add3A_432, %mul3A_481 : i32
        %add3A_483 = arith.constant 3 : i32
        %add3A_484 = arith.addi %mul3A_482, %add3A_483 : i32
        %dma_start3A_485 = arith.constant 1 : i32
        %dma_start3A_486 = arith.constant 3 : i32
        %dma_start3A_487 = arith.constant 0 : i32
        %dma_start3A_488 = arith.constant 0 : i32
        %dma_start3A_489 = tpu.memref_slice %arg6[%dma_start3A_485, %dma_start3A_486, %dma_start3A_487, %dma_start3A_488] : memref<4x5x128x32xf32, #tpu.memory_space<vmem>> -> memref<1x1x128x32xf32, #tpu.memory_space<vmem>>
        %dma_start3A_490 = tpu.memref_squeeze %dma_start3A_489 : memref<1x1x128x32xf32, #tpu.memory_space<vmem>> -> memref<128x32xf32, #tpu.memory_space<vmem>>
        %dma_start3A_491 = arith.constant 0 : i32
        %dma_start3A_492 = tpu.memref_slice %arg5[%add3A_484, %dma_start3A_491] : memref<200x128xi32, #tpu.memory_space<vmem>> -> memref<1x128xi32, #tpu.memory_space<vmem>>
        %dma_start3A_493 = tpu.memref_squeeze %dma_start3A_492 : memref<1x128xi32, #tpu.memory_space<vmem>> -> memref<128xi32, #tpu.memory_space<vmem>>
        %dma_start3A_494 = arith.constant 0 : i32
        %dma_start3A_495 = arith.constant 0 : i32
        %dma_start3A_496 = tpu.memref_slice %arg3[%dma_start3A_494, %dma_start3A_495] : memref<1000000x32xf32, #tpu.memory_space<hbm>> -> memref<1000000x32xf32, #tpu.memory_space<hbm>>
        tpu.enqueue_indirect_dma source(%dma_start3A_496 : memref<1000000x32xf32, #tpu.memory_space<hbm>>) target(%dma_start3A_490 : memref<128x32xf32, #tpu.memory_space<vmem>>) offsets(%dma_start3A_493 : memref<128xi32, #tpu.memory_space<vmem>>) semaphore(%arg8 : memref<!tpu.dma_semaphore, #tpu.memory_space<semaphore_mem>>)
        %mul3A_497 = arith.constant 5 : i32
        %mul3A_498 = arith.muli %add3A_432, %mul3A_497 : i32
        %add3A_499 = arith.constant 4 : i32
        %add3A_500 = arith.addi %mul3A_498, %add3A_499 : i32
        %dma_start3A_501 = arith.constant 1 : i32
        %dma_start3A_502 = arith.constant 4 : i32
        %dma_start3A_503 = arith.constant 0 : i32
        %dma_start3A_504 = arith.constant 0 : i32
        %dma_start3A_505 = tpu.memref_slice %arg6[%dma_start3A_501, %dma_start3A_502, %dma_start3A_503, %dma_start3A_504] : memref<4x5x128x32xf32, #tpu.memory_space<vmem>> -> memref<1x1x128x32xf32, #tpu.memory_space<vmem>>
        %dma_start3A_506 = tpu.memref_squeeze %dma_start3A_505 : memref<1x1x128x32xf32, #tpu.memory_space<vmem>> -> memref<128x32xf32, #tpu.memory_space<vmem>>
        %dma_start3A_507 = arith.constant 0 : i32
        %dma_start3A_508 = tpu.memref_slice %arg5[%add3A_500, %dma_start3A_507] : memref<200x128xi32, #tpu.memory_space<vmem>> -> memref<1x128xi32, #tpu.memory_space<vmem>>
        %dma_start3A_509 = tpu.memref_squeeze %dma_start3A_508 : memref<1x128xi32, #tpu.memory_space<vmem>> -> memref<128xi32, #tpu.memory_space<vmem>>
        %dma_start3A_510 = arith.constant 0 : i32
        %dma_start3A_511 = arith.constant 0 : i32
        %dma_start3A_512 = tpu.memref_slice %arg3[%dma_start3A_510, %dma_start3A_511] : memref<1000000x32xf32, #tpu.memory_space<hbm>> -> memref<1000000x32xf32, #tpu.memory_space<hbm>>
        tpu.enqueue_indirect_dma source(%dma_start3A_512 : memref<1000000x32xf32, #tpu.memory_space<hbm>>) target(%dma_start3A_506 : memref<128x32xf32, #tpu.memory_space<vmem>>) offsets(%dma_start3A_509 : memref<128xi32, #tpu.memory_space<vmem>>) semaphore(%arg8 : memref<!tpu.dma_semaphore, #tpu.memory_space<semaphore_mem>>)
      } else {
      }
    }
    %scan3A_161 = arith.constant 10 : i32
    %dma_wait3A_162 = arith.constant 0 : i32
    %dma_wait3A_163 = arith.constant 0 : i32
    %dma_wait3A_164 = arith.constant 0 : i32
    %dma_wait3A_165 = arith.constant 0 : i32
    %dma_wait3A_166 = arith.constant 0 : i32
    %dma_wait3A_167 = tpu.memref_slice %arg6[%dma_wait3A_162, %dma_wait3A_164, %dma_wait3A_165, %dma_wait3A_166] : memref<4x5x128x32xf32, #tpu.memory_space<vmem>> -> memref<1x5x128x32xf32, #tpu.memory_space<vmem>>
    %dma_wait3A_168 = tpu.memref_squeeze %dma_wait3A_167 : memref<1x5x128x32xf32, #tpu.memory_space<vmem>> -> memref<5x128x32xf32, #tpu.memory_space<vmem>>
    %dma_wait3A_169 = arith.constant 0 : i32
    %dma_wait3A_170 = arith.constant 0 : i32
    %dma_wait3A_171 = arith.constant 0 : i32
    %dma_wait3A_172 = tpu.memref_slice %arg4[%dma_wait3A_163, %dma_wait3A_169, %dma_wait3A_170, %dma_wait3A_171] : memref<32x200x128x32xf32, #tpu.memory_space<hbm>> -> memref<1x5x128x32xf32, #tpu.memory_space<hbm>>
    %dma_wait3A_173 = tpu.memref_squeeze %dma_wait3A_172 : memref<1x5x128x32xf32, #tpu.memory_space<hbm>> -> memref<5x128x32xf32, #tpu.memory_space<hbm>>
    %dma_wait3A_174 = arith.constant 0 : i32
    %dma_wait3A_175 = arith.constant 0 : i32
    %dma_wait3A_176 = arith.constant 0 : i32
    %dma_wait3A_177 = tpu.memref_slice %arg4[%dma_wait3A_163, %dma_wait3A_174, %dma_wait3A_175, %dma_wait3A_176] : memref<32x200x128x32xf32, #tpu.memory_space<hbm>> -> memref<1x5x128x32xf32, #tpu.memory_space<hbm>>
    %dma_wait3A_178 = tpu.memref_squeeze %dma_wait3A_177 : memref<1x5x128x32xf32, #tpu.memory_space<hbm>> -> memref<5x128x32xf32, #tpu.memory_space<hbm>>
    %dma_wait3A_179 = arith.constant 0 : i32
    %dma_wait3A_180 = arith.constant 0 : i32
    %dma_wait3A_181 = arith.constant 0 : i32
    %dma_wait3A_182 = tpu.memref_slice %arg6[%dma_wait3A_162, %dma_wait3A_179, %dma_wait3A_180, %dma_wait3A_181] : memref<4x5x128x32xf32, #tpu.memory_space<vmem>> -> memref<1x5x128x32xf32, #tpu.memory_space<vmem>>
    %dma_wait3A_183 = tpu.memref_squeeze %dma_wait3A_182 : memref<1x5x128x32xf32, #tpu.memory_space<vmem>> -> memref<5x128x32xf32, #tpu.memory_space<vmem>>
    tpu.wait_dma2 semaphore(%arg11 : memref<!tpu.dma_semaphore, #tpu.memory_space<semaphore_mem>>) src(%dma_wait3A_183 : memref<5x128x32xf32, #tpu.memory_space<vmem>>) dst(%dma_wait3A_178 : memref<5x128x32xf32, #tpu.memory_space<hbm>>)
    %dma_wait3A_184 = arith.constant 0 : i32
    %dma_wait3A_185 = arith.constant 0 : i32
    %dma_wait3A_186 = arith.constant 0 : i32
    %dma_wait3A_187 = arith.constant 0 : i32
    %dma_wait3A_188 = arith.constant 0 : i32
    %dma_wait3A_189 = tpu.memref_slice %arg6[%dma_wait3A_184, %dma_wait3A_186, %dma_wait3A_187, %dma_wait3A_188] : memref<4x5x128x32xf32, #tpu.memory_space<vmem>> -> memref<1x5x128x32xf32, #tpu.memory_space<vmem>>
    %dma_wait3A_190 = tpu.memref_squeeze %dma_wait3A_189 : memref<1x5x128x32xf32, #tpu.memory_space<vmem>> -> memref<5x128x32xf32, #tpu.memory_space<vmem>>
    %dma_wait3A_191 = arith.constant 0 : i32
    %dma_wait3A_192 = arith.constant 0 : i32
    %dma_wait3A_193 = arith.constant 0 : i32
    %dma_wait3A_194 = tpu.memref_slice %arg4[%dma_wait3A_185, %dma_wait3A_191, %dma_wait3A_192, %dma_wait3A_193] : memref<32x200x128x32xf32, #tpu.memory_space<hbm>> -> memref<1x5x128x32xf32, #tpu.memory_space<hbm>>
    %dma_wait3A_195 = tpu.memref_squeeze %dma_wait3A_194 : memref<1x5x128x32xf32, #tpu.memory_space<hbm>> -> memref<5x128x32xf32, #tpu.memory_space<hbm>>
    %dma_wait3A_196 = arith.constant 0 : i32
    %dma_wait3A_197 = arith.constant 0 : i32
    %dma_wait3A_198 = arith.constant 0 : i32
    %dma_wait3A_199 = tpu.memref_slice %arg4[%dma_wait3A_185, %dma_wait3A_196, %dma_wait3A_197, %dma_wait3A_198] : memref<32x200x128x32xf32, #tpu.memory_space<hbm>> -> memref<1x5x128x32xf32, #tpu.memory_space<hbm>>
    %dma_wait3A_200 = tpu.memref_squeeze %dma_wait3A_199 : memref<1x5x128x32xf32, #tpu.memory_space<hbm>> -> memref<5x128x32xf32, #tpu.memory_space<hbm>>
    %dma_wait3A_201 = arith.constant 0 : i32
    %dma_wait3A_202 = arith.constant 0 : i32
    %dma_wait3A_203 = arith.constant 0 : i32
    %dma_wait3A_204 = tpu.memref_slice %arg6[%dma_wait3A_184, %dma_wait3A_201, %dma_wait3A_202, %dma_wait3A_203] : memref<4x5x128x32xf32, #tpu.memory_space<vmem>> -> memref<1x5x128x32xf32, #tpu.memory_space<vmem>>
    %dma_wait3A_205 = tpu.memref_squeeze %dma_wait3A_204 : memref<1x5x128x32xf32, #tpu.memory_space<vmem>> -> memref<5x128x32xf32, #tpu.memory_space<vmem>>
    tpu.wait_dma2 semaphore(%arg12 : memref<!tpu.dma_semaphore, #tpu.memory_space<semaphore_mem>>) src(%dma_wait3A_205 : memref<5x128x32xf32, #tpu.memory_space<vmem>>) dst(%dma_wait3A_200 : memref<5x128x32xf32, #tpu.memory_space<hbm>>)
    return
  }
}

</mosaic_0001>

<sc_bundles>
// kernel: kernel.3.cloned.1.call-start
scs
__scs_entry_jumppad:
0x0: {  	(pc) =	sbr.rel $0x88, $3  }
0x1: {  	(tag) =	ssettag $0x0;
	lr =	simm.s32 $0x1  }
0x2: {  	[smem:$0x3F9F] =	sst lr;
	_ =	strace $0xD0000000  }
0x3: {  	_ = 	snop  }
0x4: {  	_ = 	snop  }
0x5: {  	_ = 	snop  }
0x6: {  	_ = 	snop  }
0x7: {  	_ = 	snop  }
__scs_overlays_trampoline_lowered:
0x8: {  	[smem:$0x3FAE] =	sst s0  }
0x9: {  	[smem:$0x3FAF] =	sst s1  }
0xa: {  	[smem:$0x3FB0] =	sst s2  }
0xb: {  	[smem:$0x3FB1] =	sst s3  }
0xc: {  	[smem:$0x3FB2] =	sst s4  }
0xd: {  	[smem:$0x3FB3] =	sst s5  }
0xe: {  	[smem:$0x3FB4] =	sst s6  }
0xf: {  	[smem:$0x3FB5] =	sst s7  }
0x10: {  	[smem:$0x3FB6] =	sst s8  }
0x11: {  	[smem:$0x3FB7] =	sst s9;
	s0 =	simm.s32 @!p0 $0x0  }
0x12: {  	s1 =	sld [smem:$0x3F9D];
	s0 =	simm.s32 @p0 $0x1  }
0x13: {  	[smem:$0x3FB8] =	sst s0;
	s0 =	simm.s32 @!p1 $0x0  }
0x14: {  	s2 =	sld [smem:$0x3F9C];
	s0 =	simm.s32 @p1 $0x1  }
0x15: {  	[smem:$0x3FB9] =	sst s0;
	s0 =	simm.s32 @!p2 $0x0  }
0x16: {  	s3 =	sld [smem:$0x3FDB];
	s0 =	simm.s32 @p2 $0x1  }
0x17: {  	s4 =	simm.s32 $0x1BF5;
	[smem:$0x3FBB] =	sst s0  }
0x18: {  	s0 =	sld [smem:$0x3F9E];
	_ =	swait.ge [sflag:s4], $0x0  }
0x19: {  	s7 =	sld [smem:$0x3F9F]  }
0x1a: {  	s8 =	sadd.s32 $0xFFFFE003, lr  }
0x1b: {  	s9 =	sadd.s32 $0xFFFFFEF7, lr;
	s5 =	simm.s32 $0xFFFFFFFF;
	p2 =	slt.u32 s8, $0xFFFFF086  }
0x1c: {  	p1 =	slt.u32 s9, $0xF7A;
	s5 =	simm.s32 @!p2 $0x0  }
0x1d: {  	s5 =	simm.s32 @p1 $0x1;
	p0 =	seq.s32 s7, s2  }
0x1e: {  	s7 =	smul.u32 @!p0 $0xF7A, s2;
	p2 =	seq.s32 @!p0 s5, $0x0  }
0x1f: {  	s9 =	smul.u32 $0xF7A, s1;
	s8 =	simm.s32 @!p0 $0x1BF5;
	p2 =	por !p2, p0  }
0x20: {  	[sflag:s8] =	ssyncset.s32 @!p0 $0xFFFFF086;
	s6 =	sadd.s32 @!p0 s3, s7;
	s7 =	simm.s32 @!p0 $0x108  }
0x21: {  	s3 =	sadd.s32 s3, s9;
	s6 =	sadd.s32 @!p0 $0x88, s6;
	s7 =	simm.s32 @p2 $0x1082  }
0x22: {  	[simem:s7], [sflag:s8] =	dma.local @!p0 [hbm:s6], $0xF7A  }
0x23: {  	s9 =	sor.u32 $0xD0000000, s2;
	s6 =	simm.s32 $0x108;
	_ =	swait.ge @!p0 [sflag:s8], $0x0  }
0x24: {  	s3 =	sadd.s32 $0x88, s3;
	s6 =	simm.s32 @!p1 $0x1082;
	[sflag:s4] =	ssyncset.s32 $0xFFFFF086  }
0x25: {  	[simem:s6], [sflag:s4] =	dma.local [hbm:s3], $0xF7A  }
0x26: {  	[smem:$0x3F9F] =	sst s1;
	(tag) =	ssettag s2;
	_ =	strace s9  }
0x27: {  	s1 =	sld [smem:$0x3FAF]  }
0x28: {  	s2 =	sld [smem:$0x3FB0]  }
0x29: {  	s4 =	sld [smem:$0x3FB2]  }
0x2a: {  	p0 =	seq.s32 s5, $0x0;
	s5 =	sld [smem:$0x3FB3]  }
0x2b: {  	s6 =	sld [smem:$0x3FB4]  }
0x2c: {  	s7 =	sld [smem:$0x3FB5]  }
0x2d: {  	s3 =	simm.s32 $0x108;
	s8 =	sld [smem:$0x3FB6]  }
0x2e: {  	s3 =	simm.s32 @!p0 $0x1082;
	s9 =	sld [smem:$0x3FB7]  }
0x2f: {  	lr =	sadd.s32 s0, s3;
	s0 =	sld [smem:$0x3FAE]  }
0x30: {  	s3 =	sld [smem:$0x3FB1]  }
0x31: {  	[smem:$0x3FBA] =	sst s10  }
0x32: {  	s10 =	sld [smem:$0x3FB8];
	_ =	sdelay $0x3  }
0x33: {  	p0 =	seq.s32 s10, $0x1;
	s10 =	sld [smem:$0x3FBA];
	_ =	sdelay $0x3  }
0x34: {  	[smem:$0x3FBA] =	sst s10  }
0x35: {  	s10 =	sld [smem:$0x3FB9];
	_ =	sdelay $0x3  }
0x36: {  	p1 =	seq.s32 s10, $0x1;
	s10 =	sld [smem:$0x3FBA];
	_ =	sdelay $0x3  }
0x37: {  	[smem:$0x3FBA] =	sst s10  }
0x38: {  	s10 =	sld [smem:$0x3FBB]  }
0x39: {  	_ = 	snop;
	(pc) =	sbr.ind lr, $3  }
0x3a: {  	_ = 	snop  }
0x3b: {  	_ = 	snop  }
0x3c: {  	p2 =	seq.s32 s10, $0x1;
	s10 =	sld [smem:$0x3FBA]  }
0x3d: {  	_ =	shalt  }
0x3e: {  	_ =	shalt  }
0x3f: {  	_ =	shalt  }
0x40: {  	_ =	shalt  }
0x41: {  	_ =	shalt  }
0x42: {  	_ =	shalt  }
0x43: {  	_ =	shalt  }
0x44: {  	_ =	shalt  }
0x45: {  	_ =	shalt  }
0x46: {  	_ =	shalt  }
0x47: {  	_ =	shalt  }
0x48: {  	_ =	shalt  }
0x49: {  	_ =	shalt  }
0x4a: {  	_ =	shalt  }
0x4b: {  	_ =	shalt  }
0x4c: {  	_ =	shalt  }
0x4d: {  	_ =	shalt  }
0x4e: {  	_ =	shalt  }
0x4f: {  	_ =	shalt  }
0x50: {  	_ =	shalt  }
0x51: {  	_ =	shalt  }
0x52: {  	_ =	shalt  }
0x53: {  	_ =	shalt  }
0x54: {  	_ =	shalt  }
0x55: {  	_ =	shalt  }
0x56: {  	_ =	shalt  }
0x57: {  	_ =	shalt  }
0x58: {  	_ =	shalt  }
0x59: {  	_ =	shalt  }
0x5a: {  	_ =	shalt  }
0x5b: {  	_ =	shalt  }
0x5c: {  	_ =	shalt  }
0x5d: {  	_ =	shalt  }
0x5e: {  	_ =	shalt  }
0x5f: {  	_ =	shalt  }
0x60: {  	_ =	shalt  }
0x61: {  	_ =	shalt  }
0x62: {  	_ =	shalt  }
0x63: {  	_ =	shalt  }
0x64: {  	_ =	shalt  }
0x65: {  	_ =	shalt  }
0x66: {  	_ =	shalt  }
0x67: {  	_ =	shalt  }
0x68: {  	_ =	shalt  }
0x69: {  	_ =	shalt  }
0x6a: {  	_ =	shalt  }
0x6b: {  	_ =	shalt  }
0x6c: {  	_ =	shalt  }
0x6d: {  	_ =	shalt  }
0x6e: {  	_ =	shalt  }
0x6f: {  	_ =	shalt  }
0x70: {  	_ =	shalt  }
0x71: {  	_ =	shalt  }
0x72: {  	_ =	shalt  }
0x73: {  	_ =	shalt  }
0x74: {  	_ =	shalt  }
0x75: {  	_ =	shalt  }
0x76: {  	_ =	shalt  }
0x77: {  	_ =	shalt  }
0x78: {  	_ =	shalt  }
0x79: {  	_ =	shalt  }
0x7a: {  	_ =	shalt  }
0x7b: {  	_ =	shalt  }
0x7c: {  	_ =	shalt  }
0x7d: {  	_ =	shalt  }
0x7e: {  	_ =	shalt  }
0x7f: {  	_ =	shalt  }
0x80: {  	_ =	shalt  }
0x81: {  	_ =	shalt  }
0x82: {  	_ =	shalt  }
0x83: {  	_ =	shalt  }
0x84: {  	_ =	shalt  }
0x85: {  	_ =	shalt  }
0x86: {  	_ =	shalt  }
0x87: {  	_ =	shalt  }
.Lfunc_end0:
.L_simem_size_0:
called_computation.1_lowered:
.L_overlay_start_0:
0x88: {  	s2 =	sld [smem:$0x3FD9]  }
0x89: {  	s3 =	sld [smem:$0x3FFE];
	_ =	sdelay $0x1  }
0x8a: {  	s1 =	srdreg.scid  }
0x8b: {  	s0 =	sand.u32 $0x1, s1  }
0x8c: {  	s17 =	sshll.u32 s0, $0xA;
	s2 =	sadd.s32 s3, s2  }
0x8d: {  	s2 =	sadd.s32 s2, s17  }
0x8e: {  	[smem:$0x3FC6] =	sst s2  }
0x8f: {  	_ = 	snop  }
0x90: {  	s2 =	sld [smem:$0x3FD0];
	(tm) =	ssettm $0x1  }
0x91: {  	s18 =	sld [smem:$0x3FFB];
	_ =	sdelay $0x3  }
0x92: {  	_ =	strace s18  }
0x93: {  	s3 =	sld [smem:$0x3FFC];
	_ =	sdelay $0x3  }
0x94: {  	_ =	strace s3  }
0x95: {  	s3 =	sld [smem:$0x3FFD];
	_ =	sdelay $0x3  }
0x96: {  	_ =	strace s3  }
0x97: {  	_ =	strace $0x8FFFFFFF  }
0x98: {  	s19 =	sld [smem:$0x3FDB];
	_ =	sdelay $0x1  }
0x99: {  	s4 =	simm.s32 $_scs_section_size  }
0x9a: {  	s5 =	simm.s32 $_size__tile_overlayer_lowered;
	s6 =	simm.s32 $_tile_overlayer_lowered  }
0x9b: {  	s22 =	simm.s32 $0x1BFF;
	s21 =	sshll.u32 s6, $0x1;
	s3 =	sadd.s32 s4, s19  }
0x9c: {  	s7 =	simm.s32 $0x0;
	s20 =	sshll.u32 s5, $0x1;
	s5 =	sadd.s32 s21, s3  }
0x9d: {  	[timem:s7], [sflag:s22] =	dma.local [hbm:s5], s20  }
0x9e: {  	_ =	swait.ge [sflag:s22], s20  }
0x9f: {  	s4 =	ssub.s32 $0x0, s20;
	[sflag:s22] =	ssyncset.done $0x0  }
0xa0: {  	[sflag:s22] =	ssyncadd.s32 s4;
	_ =	sdelay $0x1  }
0xa1: {  	s23 =	simm.s32 $0x1B8B  }
0xa2: {  	_ =	swait.ge [sflag:s23], $0x1  }
0xa3: {  	[sflag:s23] =	ssyncset.done $0x0  }
0xa4: {  	s25 =	simm.s32 $0x1B8E;
	s24 =	sld [smem:$0x3FFE];
	[sflag:s23] =	ssyncadd.s32 $0xFFFFFFFF  }
0xa5: {  	s26 =	simm.s32 $execute0_lowered;
	[smem:$0x3FD2] =	sst s25  }
0xa6: {  	s5 =	sshll.u32 s26, $0x1;
	_ =	strace $0x80000046;
	[dreg:$0x1] =	wrdreg $0xFFFFFFFF  }
0xa7: {  	s28 =	simm.s32 $_size_execute0_lowered;
	s3 =	sadd.s32 s3, s5;
	[dreg:$0x0] =	wrdreg $0x0  }
0xa8: {  	s5 =	sshll.u32 s28, $0x1;
	[dreg:$0x2] =	wrdreg s3  }
0xa9: {  	[dreg:$0x3] =	wrdreg s5  }
0xaa: {  	[dreg:$0x4] =	wrdreg $0xC0  }
0xab: {  	_ =	task [dreg:s7], $0x5FFFF  }
0xac: {  	[dreg:$0x1] =	wrdreg $0xFFFFFFFF  }
0xad: {  	[dreg:$0x0] =	wrdreg $0x60  }
0xae: {  	[dreg:$0x2] =	wrdreg s24  }
0xaf: {  	[dreg:$0x3] =	wrdreg s2  }
0xb0: {  	[dreg:$0x4] =	wrdreg $0x9  }
0xb1: {  	_ =	task.clear_ibuf [dreg:s7], $0x5FFFF;
	_ =	strace $0x90000046  }
0xb2: {  	s29 =	simm.s32 $0x9;
	_ =	strace $0x80000048  }
0xb3: {  	_ =	swait.ge [sflag:s29], $0x1  }
0xb4: {  	[sflag:s29] =	ssyncadd.s32 $0xFFFFFFFF  }
0xb5: {  	_ =	strace $0x90000048  }
0xb6: {  	_ =	sfence  }
0xb7: {  	s30 =	sld [smem:$0x0];
	_ =	sdelay $0x2  }
0xb8: {  	s31 =	sshll.u32 s1, $0xD;
	s1 =	sshrl.u32 s1, $0x2  }
0xb9: {  	s3 =	sand.u32 $0x4000, s31;
	s1 =	sadd.s32 s1, s30  }
0xba: {  	s0 =	sor.u32 s3, s0;
	s1 =	sshll.u32 s1, $0x11  }
0xbb: {  	s0 =	sor.u32 s1, s0  }
0xbc: {  	s0 =	sadd.s32 $0x8F2B, s0  }
0xbd: {  	[sflag:s0] =	ssyncadd.remote.s32 $0x1  }
0xbe: {  	_ =	sfence.sel $0xFFFF  }
0xbf: {  	[dreg:$0x0] =	wrdreg $0xFFFFFFFF;
	(pc) =	sbr.abs _section_cstart, $3  }
0xc0: {  	[dreg:$0x1] =	wrdreg $0xFFFFFFFF  }
0xc1: {  	_ =	task.clear_ibuf [dreg:s7], $0x2FFFF;
	_ =	strace $0x9FFFFFFF  }
0xc2: {  	(tm) =	ssettm $0x7FFFFFFF  }
0xc3: {  	_ =	shalt  }
tec
execute0_lowered:
.L_overlay_start_1:
0x0: {  	(tag) =	ssettag $0x1  }
0x1: {  	s0 =	srdreg.scid;
	s3 =	rddreg [dreg:$0x0]  }
0x2: {  	s5 =	stileid.u32;
	s4 =	rddreg [dreg:$0x1]  }
0x3: {  	s2 =	simm.s32 $0x0;
	s13 =	simm.s32 $0x80;
	s23 =	simm.s32 $0xB400  }
0x4: {  	s12 =	simm.s32 $0x1;
	s15 =	simm.s32 $0x10400;
	s16 =	simm.s32 $0x11400  }
0x5: {  	s17 =	simm.s32 $0x12400;
	s18 =	simm.s32 $0x13400;
	s19 =	simm.s32 $0x14400  }
0x6: {  	s20 =	simm.s32 $0x2;
	s21 =	simm.s32 $0x15400;
	s22 =	simm.s32 $0x16400  }
0x7: {  	s29 =	simm.s32 $0x19400;
	s31 =	simm.s32 $0x3;
	s11 =	simm.s32 $0x0  }
0x8: {  	s0 =	sand.u32 $0x1, s0;
	s1 =	sshll.u32 s5, $0x1;
	s5 =	smul.u32 $0x190000, s5  }
0x9: {  	s1 =	sor.u32 s0, s1;
	s6 =	smul.u32 $0xC8000, s0;
	s0 =	ssub.s32 $0x2, s0  }
0xa: {  	[smem:$0x7FF] =	sst s2;
	s1 =	smul.u32 $0x6400, s1;
	s7 =	sshrl.u32 s0, $0x1  }
0xb: {  	_ =	strace $0x80000047;
	s5 =	sadd.s32 s6, s5;
	s0 =	ssub.s32 s0, s7  }
0xc: {  	s6 =	simm.s32 $0x6;
	s1 =	sshrl.u32 s1, $0x3;
	s25 =	sor.u32 $0x5000, s5  }
0xd: {  	s0 =	smax.u32 s0, $0x1;
	s28 =	sadd.s32 $0xF000, s5;
	s30 =	sadd.s32 $0xA000, s5  }
0xe: {  	s5 =	sshrl.u32 s5, $0x3;
	s1 =	sadd.s32 s1, s3;
	s3 =	sadd.s32 $0xF42E00, s3  }
0xf: {  	[dreg:$0x5] =	wrdreg s0;
	s26 =	sshrl.u32 s25, $0x3;
	s0 =	sshrl.u32 s28, $0x3  }
.Ltmp0:
0x10: {  	s8 =	sadd.s32 s5, s4;
	s5 =	simm.s32 $0x4;
	(pc) =	sbr.rel .LBB2_1-.Ltmp0, $4  }
0x11: {  	s24 =	sadd.s32 $0xA00, s1;
	s1 =	sadd.s32 $0xAA0, s1;
	s7 =	sadd.s32 s26, s4  }
0x12: {  	s9 =	sadd.s32 s0, s4;
	s26 =	simm.s32 $0x18400;
	[dreg:$0x3] =	wrdreg s24  }
0x13: {  	[dreg:$0x4] =	wrdreg s1;
	s1 =	sshrl.u32 s30, $0x3;
	s24 =	simm.s32 $0x17400  }
0x14: {  	s10 =	sadd.s32 s1, s4;
	s1 =	simm.s32 $0xF400;
	s4 =	simm.s32 $0x5  }
.LBB2_4:
0x15: {  	_ =	swait.ge [sflag:s4], $0x5000  }
0x16: {  	[sflag:s4] =	ssyncset.done $0x0  }
0x17: {  	[sflag:s4] =	ssyncadd.s32 $0xFFFFB000  }
0x18: {  	_ =	swait.ge [sflag:s6], $0x5000  }
0x19: {  	s11 =	rddreg [dreg:$0x6]  }
0x1a: {  	s0 =	rddreg [dreg:$0x5];
	s11 =	sadd.s32 $0x1, s11  }
0x1b: {  	p0 =	sne.s32 s11, s0  }
.Ltmp1:
0x1c: {  	_ = 	snop;
	(pc) =	sbr.rel @!p0 .LBB2_5-.Ltmp1, $3  }
0x1d: {  	_ =	sdelay $0x1  }
0x1e: {  	[sflag:s6] =	ssyncset.done $0x0  }
0x1f: {  	[sflag:s6] =	ssyncadd.s32 $0xFFFFB000  }
.LBB2_1:
0x20: {  	[dreg:$0x6] =	wrdreg s11  }
0x21: {  	s0 =	rddreg [dreg:$0x3];
	s25 =	simm.s32 $0x8  }
0x22: {  	[tilespmem:s2], [sflag:$0x8] =	stream.linear.gather [hbm4b:s0+s2], $0x500, $0x38;
	[tilespmem:$0x1A400] =	vst v63  }
0x23: {  	_ =	swait.ge [sflag:s25], $0x500  }
0x24: {  	[sflag:s25] =	ssyncset.done $0x0  }
0x25: {  	s30 =	simm.s32 $0x500;
	s28 =	rddreg [dreg:$0x4];
	[sflag:s25] =	ssyncadd.s32 $0xFFFFFB00  }
0x26: {  	[tilespmem:s30], [sflag:$0x7] =	stream.linear.gather [hbm4b:s28+s2], $0x5F00, $0x38;
	[tilespmem:$0x1A400] =	vst v63  }
0x27: {  	s14 =	simm.s32 $0x6400  }
0x28: {  	[tilespmem:s14], [sflag:$0x1] =	stream.indirect.gather [hbm4b:s3+s13], $0x20, s2, s13, $0xb8;
	[tilespmem:$0x1A400] =	vst v63  }
0x29: {  	s25 =	simm.s32 $0x7400  }
0x2a: {  	[tilespmem:s25], [sflag:$0x1] =	stream.indirect.gather [hbm4b:s3+s13], $0x20, s13, s13, $0xb8;
	[tilespmem:$0x1A400] =	vst v63  }
0x2b: {  	s28 =	simm.s32 $0x100;
	s30 =	simm.s32 $0x8400  }
0x2c: {  	[tilespmem:s30], [sflag:$0x1] =	stream.indirect.gather [hbm4b:s3+s13], $0x20, s28, s13, $0xb8;
	[tilespmem:$0x1A400] =	vst v63  }
0x2d: {  	s14 =	simm.s32 $0x180;
	s25 =	simm.s32 $0x9400  }
0x2e: {  	[tilespmem:s25], [sflag:$0x1] =	stream.indirect.gather [hbm4b:s3+s13], $0x20, s14, s13, $0xb8;
	[tilespmem:$0x1A400] =	vst v63  }
0x2f: {  	s28 =	simm.s32 $0x200;
	s30 =	simm.s32 $0xA400  }
0x30: {  	[tilespmem:s30], [sflag:$0x1] =	stream.indirect.gather [hbm4b:s3+s13], $0x20, s28, s13, $0xb8;
	[tilespmem:$0x1A400] =	vst v63  }
0x31: {  	s11 =	simm.s32 $0x280  }
0x32: {  	[tilespmem:s23], [sflag:$0x2] =	stream.indirect.gather [hbm4b:s3+s13], $0x20, s11, s13, $0xb8;
	[tilespmem:$0x1A400] =	vst v63  }
0x33: {  	s14 =	simm.s32 $0x300;
	s25 =	simm.s32 $0xC400  }
0x34: {  	[tilespmem:s25], [sflag:$0x2] =	stream.indirect.gather [hbm4b:s3+s13], $0x20, s14, s13, $0xb8;
	[tilespmem:$0x1A400] =	vst v63  }
0x35: {  	s28 =	simm.s32 $0x380;
	s30 =	simm.s32 $0xD400  }
0x36: {  	[tilespmem:s30], [sflag:$0x2] =	stream.indirect.gather [hbm4b:s3+s13], $0x20, s28, s13, $0xb8;
	[tilespmem:$0x1A400] =	vst v63  }
0x37: {  	s14 =	simm.s32 $0x400;
	s25 =	simm.s32 $0xE400  }
0x38: {  	[tilespmem:s25], [sflag:$0x2] =	stream.indirect.gather [hbm4b:s3+s13], $0x20, s14, s13, $0xb8;
	[tilespmem:$0x1A400] =	vst v63  }
0x39: {  	s28 =	simm.s32 $0x480;
	s30 =	simm.s32 $0x7  }
0x3a: {  	[tilespmem:s1], [sflag:$0x2] =	stream.indirect.gather [hbm4b:s3+s13], $0x20, s28, s13, $0xb8;
	[tilespmem:$0x1A400] =	vst v63  }
0x3b: {  	_ =	swait.ge [sflag:s30], $0x5F00  }
0x3c: {  	[sflag:s30] =	ssyncset.done $0x0  }
0x3d: {  	s0 =	simm.s32 $0x0;
	[sflag:s30] =	ssyncadd.s32 $0xFFFFA100  }
.LBB2_2:
0x3e: {  	_ =	swait.ge [sflag:s12], $0x5000  }
0x3f: {  	p0 =	seq.s32 s0, $0x0;
	[sflag:s12] =	ssyncset.done $0x0  }
0x40: {  	s11 =	simm.s32 @!p0 $0x5;
	[sflag:s12] =	ssyncadd.s32 $0xFFFFB000  }
0x41: {  	_ =	swait.ge @!p0 [sflag:s11], $0x5000  }
0x42: {  	s28 =	sadd.s32 s0, s8;
	[sflag:s11] =	ssyncset.done @!p0 $0x0  }
0x43: {  	s14 =	simm.s32 $0x6400;
	[sflag:s11] =	ssyncadd.s32 @!p0 $0xFFFFB000;
	s11 =	sshra.s32 s0, $0x2  }
0x44: {  	[hbm4b:s28+s2] =	stream.linear.scatter [tilespmem:s14], [sflag:$0x5], $0x5000, $0x38;
	[tilespmem:$0x1A400] =	vst v63  }
0x45: {  	s30 =	sadd.s32 $0x500, s11  }
0x46: {  	[tilespmem:s15], [sflag:$0x3] =	stream.indirect.gather [hbm4b:s3+s13], $0x20, s30, s13, $0xb8;
	[tilespmem:$0x1A400] =	vst v63  }
0x47: {  	s25 =	sadd.s32 $0x580, s11  }
0x48: {  	[tilespmem:s16], [sflag:$0x3] =	stream.indirect.gather [hbm4b:s3+s13], $0x20, s25, s13, $0xb8;
	[tilespmem:$0x1A400] =	vst v63  }
0x49: {  	s28 =	sadd.s32 $0x600, s11  }
0x4a: {  	[tilespmem:s17], [sflag:$0x3] =	stream.indirect.gather [hbm4b:s3+s13], $0x20, s28, s13, $0xb8;
	[tilespmem:$0x1A400] =	vst v63  }
0x4b: {  	s30 =	sadd.s32 $0x680, s11  }
0x4c: {  	[tilespmem:s18], [sflag:$0x3] =	stream.indirect.gather [hbm4b:s3+s13], $0x20, s30, s13, $0xb8;
	[tilespmem:$0x1A400] =	vst v63  }
0x4d: {  	s25 =	sadd.s32 $0x700, s11  }
0x4e: {  	[tilespmem:s19], [sflag:$0x3] =	stream.indirect.gather [hbm4b:s3+s13], $0x20, s25, s13, $0xb8;
	[tilespmem:$0x1A400] =	vst v63  }
0x4f: {  	_ =	swait.ge [sflag:s20], $0x5000  }
0x50: {  	[sflag:s20] =	ssyncset.done $0x0  }
0x51: {  	s14 =	simm.s32 @!p0 $0x6;
	[sflag:s20] =	ssyncadd.s32 $0xFFFFB000  }
0x52: {  	_ =	swait.ge @!p0 [sflag:s14], $0x5000  }
0x53: {  	[sflag:s14] =	ssyncset.done @!p0 $0x0  }
0x54: {  	s28 =	sadd.s32 s0, s7;
	[sflag:s14] =	ssyncadd.s32 @!p0 $0xFFFFB000  }
0x55: {  	[hbm4b:s28+s2] =	stream.linear.scatter [tilespmem:s23], [sflag:$0x6], $0x5000, $0x38;
	[tilespmem:$0x1A400] =	vst v63  }
0x56: {  	s30 =	sadd.s32 $0x780, s11  }
0x57: {  	[tilespmem:s21], [sflag:$0x4] =	stream.indirect.gather [hbm4b:s3+s13], $0x20, s30, s13, $0xb8;
	[tilespmem:$0x1A400] =	vst v63  }
0x58: {  	s25 =	sadd.s32 $0x800, s11  }
0x59: {  	[tilespmem:s22], [sflag:$0x4] =	stream.indirect.gather [hbm4b:s3+s13], $0x20, s25, s13, $0xb8;
	[tilespmem:$0x1A400] =	vst v63  }
0x5a: {  	s28 =	sadd.s32 $0x880, s11  }
0x5b: {  	[tilespmem:s24], [sflag:$0x4] =	stream.indirect.gather [hbm4b:s3+s13], $0x20, s28, s13, $0xb8;
	[tilespmem:$0x1A400] =	vst v63  }
0x5c: {  	s30 =	sadd.s32 $0x900, s11  }
0x5d: {  	[tilespmem:s26], [sflag:$0x4] =	stream.indirect.gather [hbm4b:s3+s13], $0x20, s30, s13, $0xb8;
	[tilespmem:$0x1A400] =	vst v63  }
0x5e: {  	s25 =	sadd.s32 $0x980, s11  }
0x5f: {  	[tilespmem:s29], [sflag:$0x4] =	stream.indirect.gather [hbm4b:s3+s13], $0x20, s25, s13, $0xb8;
	[tilespmem:$0x1A400] =	vst v63  }
0x60: {  	_ =	swait.ge [sflag:s31], $0x5000  }
0x61: {  	[sflag:s31] =	ssyncset.done $0x0  }
0x62: {  	[sflag:s31] =	ssyncadd.s32 $0xFFFFB000  }
0x63: {  	_ =	swait.ge [sflag:s4], $0x5000  }
0x64: {  	p0 =	seq.s32 s0, $0x16800;
	[sflag:s4] =	ssyncset.done $0x0  }
0x65: {  	s14 =	sshra.s32 @!p0 s0, $0x2;
	s28 =	sadd.s32 s0, s10;
	[sflag:s4] =	ssyncadd.s32 $0xFFFFB000  }
0x66: {  	[hbm4b:s28+s2] =	stream.linear.scatter [tilespmem:s15], [sflag:$0x5], $0x5000, $0x38;
	[tilespmem:$0x1A400] =	vst v63  }
0x67: {  	s30 =	simm.s32 @!p0 $0x6400;
	s25 =	sadd.s32 @!p0 $0xA00, s14;
	s28 =	simm.s32 @!p0 $0x80  }
0x68: {  	[tilespmem:s30], [sflag:$0x1] =	stream.indirect.gather @!p0 [hbm4b:s3+s28], $0x20, s25, s28, $0xb8;
	[tilespmem:$0x1A400] =	vst v63  }
0x69: {  	s25 =	sadd.s32 @!p0 $0xA80, s14;
	s30 =	simm.s32 @!p0 $0x7400  }
0x6a: {  	[tilespmem:s30], [sflag:$0x1] =	stream.indirect.gather @!p0 [hbm4b:s3+s28], $0x20, s25, s28, $0xb8;
	[tilespmem:$0x1A400] =	vst v63  }
0x6b: {  	s25 =	sadd.s32 @!p0 $0xB00, s14;
	s30 =	simm.s32 @!p0 $0x8400  }
0x6c: {  	[tilespmem:s30], [sflag:$0x1] =	stream.indirect.gather @!p0 [hbm4b:s3+s28], $0x20, s25, s28, $0xb8;
	[tilespmem:$0x1A400] =	vst v63  }
0x6d: {  	s25 =	sadd.s32 @!p0 $0xB80, s14;
	s30 =	simm.s32 @!p0 $0x9400  }
0x6e: {  	[tilespmem:s30], [sflag:$0x1] =	stream.indirect.gather @!p0 [hbm4b:s3+s28], $0x20, s25, s28, $0xb8;
	[tilespmem:$0x1A400] =	vst v63  }
0x6f: {  	s14 =	sadd.s32 @!p0 $0xC00, s14;
	s25 =	simm.s32 @!p0 $0xA400  }
0x70: {  	[tilespmem:s25], [sflag:$0x1] =	stream.indirect.gather @!p0 [hbm4b:s3+s28], $0x20, s14, s28, $0xb8;
	[tilespmem:$0x1A400] =	vst v63  }
0x71: {  	_ =	swait.ge [sflag:s5], $0x5000  }
0x72: {  	[sflag:s5] =	ssyncset.done $0x0  }
.Ltmp2:
0x73: {  	[sflag:s5] =	ssyncadd.s32 $0xFFFFB000;
	(pc) =	sbr.rel @p0 .LBB2_4-.Ltmp2, $4  }
0x74: {  	_ =	swait.ge [sflag:s6], $0x5000  }
0x75: {  	[sflag:s6] =	ssyncset.done $0x0  }
0x76: {  	s30 =	sadd.s32 s0, s9;
	[sflag:s6] =	ssyncadd.s32 $0xFFFFB000  }
0x77: {  	[hbm4b:s30+s2] =	stream.linear.scatter [tilespmem:s21], [sflag:$0x6], $0x5000, $0x38;
	[tilespmem:$0x1A400] =	vst v63  }
0x78: {  	s14 =	sadd.s32 $0xC80, s11  }
0x79: {  	[tilespmem:s23], [sflag:$0x2] =	stream.indirect.gather [hbm4b:s3+s13], $0x20, s14, s13, $0xb8;
	[tilespmem:$0x1A400] =	vst v63  }
0x7a: {  	s30 =	sadd.s32 $0xD00, s11;
	s25 =	simm.s32 $0xC400  }
0x7b: {  	[tilespmem:s25], [sflag:$0x2] =	stream.indirect.gather [hbm4b:s3+s13], $0x20, s30, s13, $0xb8;
	[tilespmem:$0x1A400] =	vst v63  }
0x7c: {  	s28 =	sadd.s32 $0xD80, s11;
	s30 =	simm.s32 $0xD400  }
0x7d: {  	[tilespmem:s30], [sflag:$0x2] =	stream.indirect.gather [hbm4b:s3+s13], $0x20, s28, s13, $0xb8;
	[tilespmem:$0x1A400] =	vst v63  }
.Ltmp3:
0x7e: {  	_ = 	snop;
	(pc) =	sbr.rel .LBB2_2-.Ltmp3, $4  }
0x7f: {  	s25 =	sadd.s32 $0xE00, s11;
	s28 =	simm.s32 $0xE400  }
0x80: {  	[tilespmem:s28], [sflag:$0x2] =	stream.indirect.gather [hbm4b:s3+s13], $0x20, s25, s13, $0xb8;
	[tilespmem:$0x1A400] =	vst v63  }
0x81: {  	s0 =	sadd.s32 $0x2800, s0;
	s30 =	sadd.s32 $0xE80, s11  }
0x82: {  	[tilespmem:s1], [sflag:$0x2] =	stream.indirect.gather [hbm4b:s3+s13], $0x20, s30, s13, $0xb8;
	[tilespmem:$0x1A400] =	vst v63  }
.LBB2_5:
0x83: {  	_ =	sfence.sel $0x180000  }
0x84: {  	[bflag:$0x0] =	sbarrier.arrive $0xFFFF  }
0x85: {  	_ =	strace $0x90000047  }
0x86: {  	s0 =	stileid.u32;
	[bflag:$0x2] =	sbarrier.arrive $0xFFFF  }
0x87: {  	p0 =	sne.s32 s0, $0x0;
	s0 =	rddreg [dreg:$0x2]  }
0x88: {  	s0 =	sadd.s32 @!p0 $0x100000, s0  }
0x89: {  	[sflag:s0] =	ssyncadd.tile.s32 @!p0 $0x1;
	_ =	shalt  }
.Lfunc_end2:
_tile_overlayer_lowered:
.L_overlay_start_2:
0x8a: {  	(tag) =	ssettag $0x2  }
0x8b: {  	s0 =	rddreg [dreg:$0x0];
	s2 =	stileid.u32  }
0x8c: {  	s1 =	rddreg [dreg:$0x1];
	p0 =	sne.s32 s2, $0x0  }
0x8d: {  	s3 =	rddreg [dreg:$0x2];
	[bflag:$0x3] =	sbarrier.arrive $0xFFFF;
	s2 =	simm.s32 @!p0 $0x1C08  }
0x8e: {  	[timem:s3], [sflag:s2] =	dma.local @!p0 [hbm:s0], s1  }
0x8f: {  	s0 =	simm.s32 @!p0 $0x8  }
0x90: {  	_ =	swait.ge @!p0 [sflag:s0], s1  }
0x91: {  	s1 =	ssub.s32 @!p0 $0x0, s1;
	[sflag:s0] =	ssyncset.done @!p0 $0x0  }
0x92: {  	[sflag:s0] =	ssyncadd.s32 @!p0 s1  }
0x93: {  	[bflag:$0x3] =	sbarrier.arrive $0xFFFF  }
0x94: {  	_ =	shalt  }

// kernel: sparse-core-data-format-call.cloned.1.call-start
scs
called_computation_lowered:
.L_overlay_start_0:
0x0: {  	s2 =	sld [smem:$0x3FD9]  }
0x1: {  	s3 =	sld [smem:$0x3FFE];
	_ =	sdelay $0x1  }
0x2: {  	s1 =	srdreg.scid  }
0x3: {  	s0 =	sand.u32 $0x1, s1  }
0x4: {  	s18 =	sshll.u32 s0, $0xA;
	s2 =	sadd.s32 s3, s2  }
0x5: {  	s2 =	sadd.s32 s2, s18  }
0x6: {  	[smem:$0x3FC6] =	sst s2  }
0x7: {  	_ = 	snop  }
0x8: {  	s2 =	sld [smem:$0x3FD0];
	(tm) =	ssettm $0x1  }
0x9: {  	s19 =	sld [smem:$0x3FFB];
	_ =	sdelay $0x3  }
0xa: {  	_ =	strace s19  }
0xb: {  	s3 =	sld [smem:$0x3FFC];
	_ =	sdelay $0x3  }
0xc: {  	_ =	strace s3  }
0xd: {  	s3 =	sld [smem:$0x3FFD];
	_ =	sdelay $0x3  }
0xe: {  	_ =	strace s3  }
0xf: {  	_ =	strace $0x8FFFFFFF  }
0x10: {  	s20 =	sld [smem:$0x3FDB];
	_ =	sdelay $0x1  }
0x11: {  	s4 =	simm.s32 $_scs_section_size  }
0x12: {  	s5 =	simm.s32 $_size__tile_overlayer_lowered;
	s6 =	simm.s32 $_tile_overlayer_lowered  }
0x13: {  	s23 =	simm.s32 $0x1BFF;
	s22 =	sshll.u32 s6, $0x1;
	s3 =	sadd.s32 s4, s20  }
0x14: {  	s7 =	simm.s32 $0x0;
	s21 =	sshll.u32 s5, $0x1;
	s5 =	sadd.s32 s22, s3  }
0x15: {  	[timem:s7], [sflag:s23] =	dma.local [hbm:s5], s21  }
0x16: {  	_ =	swait.ge [sflag:s23], s21  }
0x17: {  	s4 =	ssub.s32 $0x0, s21;
	[sflag:s23] =	ssyncset.done $0x0  }
0x18: {  	[sflag:s23] =	ssyncadd.s32 s4;
	_ =	sdelay $0x1  }
0x19: {  	s24 =	simm.s32 $0x1B8B  }
0x1a: {  	_ =	swait.ge [sflag:s24], $0x1  }
0x1b: {  	[sflag:s24] =	ssyncset.done $0x0  }
0x1c: {  	s26 =	simm.s32 $0x1B8E;
	s25 =	sld [smem:$0x3FFE];
	[sflag:s24] =	ssyncadd.s32 $0xFFFFFFFF  }
0x1d: {  	s27 =	simm.s32 $execute0_lowered;
	[smem:$0x3FD2] =	sst s26  }
0x1e: {  	s5 =	sshll.u32 s27, $0x1;
	_ =	strace $0x80000049;
	[dreg:$0x1] =	wrdreg $0xFFFFFFFF  }
0x1f: {  	s28 =	simm.s32 $_size_execute0_lowered;
	s3 =	sadd.s32 s3, s5;
	[dreg:$0x0] =	wrdreg $0x0  }
0x20: {  	s5 =	sshll.u32 s28, $0x1;
	[dreg:$0x2] =	wrdreg s3  }
0x21: {  	[dreg:$0x3] =	wrdreg s5  }
0x22: {  	[dreg:$0x4] =	wrdreg $0xC0  }
0x23: {  	_ =	task [dreg:s7], $0x5FFFF  }
0x24: {  	[dreg:$0x1] =	wrdreg $0xFFFFFFFF  }
0x25: {  	[dreg:$0x0] =	wrdreg $0x60  }
0x26: {  	[dreg:$0x2] =	wrdreg s25  }
0x27: {  	[dreg:$0x3] =	wrdreg s2  }
0x28: {  	[dreg:$0x4] =	wrdreg $0x9  }
0x29: {  	_ =	task.clear_ibuf [dreg:s7], $0x5FFFF;
	_ =	strace $0x90000049  }
0x2a: {  	s29 =	simm.s32 $0x9;
	_ =	strace $0x8000004B  }
0x2b: {  	_ =	swait.ge [sflag:s29], $0x1  }
0x2c: {  	[sflag:s29] =	ssyncadd.s32 $0xFFFFFFFF  }
0x2d: {  	_ =	strace $0x9000004B  }
0x2e: {  	_ =	sfence  }
0x2f: {  	s30 =	sld [smem:$0x0];
	_ =	sdelay $0x2  }
0x30: {  	s31 =	sshll.u32 s1, $0xD;
	s1 =	sshrl.u32 s1, $0x2  }
0x31: {  	s3 =	sand.u32 $0x4000, s31;
	s1 =	sadd.s32 s1, s30  }
0x32: {  	s0 =	sor.u32 s3, s0;
	s1 =	sshll.u32 s1, $0x11  }
0x33: {  	s0 =	sor.u32 s1, s0  }
0x34: {  	s0 =	sadd.s32 $0x8F2B, s0  }
0x35: {  	[sflag:s0] =	ssyncadd.remote.s32 $0x1  }
0x36: {  	_ =	sfence.sel $0xFFFF  }
0x37: {  	[dreg:$0x0] =	wrdreg $0xFFFFFFFF;
	(pc) =	sbr.abs _section_cstart, $3  }
0x38: {  	[dreg:$0x1] =	wrdreg $0xFFFFFFFF  }
0x39: {  	_ =	task.clear_ibuf [dreg:s7], $0x2FFFF;
	_ =	strace $0x9FFFFFFF  }
0x3a: {  	(tm) =	ssettm $0x7FFFFFFF  }
0x3b: {  	_ =	shalt  }
tec
execute0_lowered:
.L_overlay_start_1:
0x0: {  	(tag) =	ssettag $0x1  }
0x1: {  	s0 =	srdreg.scid  }
0x2: {  	s1 =	sshll.u32 s0, $0x4  }
0x3: {  	s0 =	stileid.u32;
	s1 =	sand.u32 $0x10, s1  }
0x4: {  	s1 =	sor.u32 s0, s1  }
0x5: {  	s6 =	rddreg [dreg:$0x0];
	s4 =	simm.s32 $0x1;
	s2 =	sshll.u32 s1, $0x7  }
0x6: {  	s7 =	simm.s32 $0x2;
	s12 =	simm.s32 $0x0;
	s1 =	ssub.s32 $0x1000, s2  }
0x7: {  	s8 =	simm.s32 $0x8000;
	s13 =	simm.s32 $0x0;
	s3 =	sand.u32 $0xF80, s1  }
0x8: {  	s9 =	simm.s32 $0x0;
	s5 =	sshrl.u32 s1, $0xC;
	p0 =	sne.s32 s3, $0x0  }
.Ltmp0:
0x9: {  	s1 =	rddreg [dreg:$0x2];
	s4 =	simm.s32 @!p0 $0x0;
	(pc) =	sbr.rel .LBB1_1-.Ltmp0, $4  }
0xa: {  	s11 =	simm.s32 $0x0;
	s3 =	rddreg [dreg:$0x1];
	s5 =	sadd.s32 s4, s5  }
0xb: {  	_ =	strace $0x8000004A;
	s4 =	simm.s32 $0x1;
	s5 =	smul.u32 $0xC8, s5  }
0xc: {  	s6 =	sadd.s32 $0xA00, s6;
	s10 =	smov.u32 s2;
	[sflag:s4] =	ssyncpa.u1 $0x0  }
0xd: {  	p0 =	por $0x0, $0x0;
	[sflag:s7] =	ssyncpa.u1 $0x0;
	s7 =	sor.u32 $0x1, s5  }
.LBB1_4:
0xe: {  	s16 =	sshll.u32 s13, $0x3;
	s17 =	sand.u32 $0x78, s13  }
0xf: {  	s30 =	sand.u32 $0x3E00, s13;
	s12 =	sshll.u32 s12, $0xE;
	s16 =	sand.u32 $0xC00, s16  }
0x10: {  	s31 =	sand.u32 $0x7, s13;
	s16 =	sor.u32 s17, s16;
	s17 =	sadd.s32 s3, s30  }
0x11: {  	s13 =	sshll.u32 s31, $0x12;
	s16 =	sshrl.u32 s16, $0x3;
	s12 =	sadd.s32 s12, s17  }
0x12: {  	[tilespmem:s15+$0x0 ss:$0x81] =	vst.msk $0xffff, v0;
	s13 =	sor.u32 $0x400, s13;
	s12 =	sadd.s32 s16, s12  }
0x13: {  	[hbm4b:s12+s13] =	stream.strided.scatter [tilespmem:s14], [sflag:$0x2], $0x1000, s8, s13, $0x20;
	[tilespmem:$0x4040] =	vst v63  }
.LBB1_5:
0x14: {  	s14 =	sadd.s32 $0x1, s9  }
0x15: {  	s12 =	sadd.s32 $0x1000, s10;
	s16 =	smov.u32 s10;
	p2 =	sgt.s32 s14, $0xC7  }
0x16: {  	s16 =	smov.u32 @p2 s12  }
0x17: {  	s14 =	simm.s32 @p2 $0x0;
	p2 =	sgt.s32 s16, $0xFFF  }
0x18: {  	s16 =	smov.u32 @p2 s2;
	p2 =	sne.s32 s11, s7  }
.Ltmp1:
0x19: {  	p1 =	slt.u32 s11, $0x2;
	(pc) =	sbr.rel @!p2 .LBB1_6-.Ltmp1, $4  }
0x1a: {  	s15 =	simm.s32 @!p1 $0x2  }
0x1b: {  	s13 =	smov.u32 s10;
	p0 =	por !p0, !p0;
	_ =	swait.ge @!p1 [sflag:s15], $0x1000  }
0x1c: {  	s12 =	smov.u32 s9;
	[sflag:s15] =	ssyncset.done @!p1 $0x0;
	s9 =	smov.u32 s14  }
0x1d: {  	s11 =	sadd.s32 $0x1, s11;
	[sflag:s15] =	ssyncadd.s32 @!p1 $0xFFFFF000;
	s10 =	smov.u32 s16  }
.LBB1_1:
0x1e: {  	p1 =	sge.u32 s11, s5  }
0x1f: {  	s14 =	sand.u32 @!p1 $0x1FFFFFF, s9  }
0x20: {  	s15 =	smulhi.u32 @!p1 $0x147AE15, s14;
	_ =	sdelay $0x1  }
0x21: {  	s15 =	smul.u32 @!p1 $0xC8, s15  }
0x22: {  	s16 =	sxor.u32 @!p1 $0xFFFFFFFF, s11;
	s17 =	smul.u32 @!p1 $0xC80, s10  }
0x23: {  	s31 =	sadd.s32 $0xFFFFFFFF, s11;
	s16 =	sshll.u32 @!p1 s16, $0xC;
	s14 =	ssub.s32 @!p1 s14, s15  }
0x24: {  	s15 =	sand.u32 @!p1 $0x1000, s16;
	s16 =	sadd.s32 @!p1 s6, s17;
	s14 =	sshll.u32 @!p1 s14, $0x4  }
0x25: {  	s17 =	simm.s32 @!p1 $0x6400;
	s14 =	sadd.s32 @!p1 s14, s16;
	s16 =	simm.s32 @!p1 $0x20  }
0x26: {  	[tilespmem:s15], [sflag:$0x1] =	stream.strided.gather @!p1 [hbm4b:s14+s16], $0x1000, s17, s16, $0x38;
	[tilespmem:$0x4040] =	vst v63  }
0x27: {  	p1 =	sge.u32 s31, s5  }
.Ltmp2:
0x28: {  	_ = 	snop;
	(pc) =	sbr.rel @p1 .LBB1_5-.Ltmp2, $1  }
0x29: {  	_ =	sdelay $0x3  }
0x2a: {  	s14 =	simm.s32 $0x1  }
0x2b: {  	_ =	swait.ge [sflag:s4], $0x1000;
	s14 =	simm.s32 @!p0 $0x0  }
0x2c: {  	[sflag:s4] =	ssyncset.done $0x0;
	s15 =	sshll.u32 s14, $0xC  }
0x2d: {  	[sflag:s4] =	ssyncadd.s32 $0xFFFFF000;
	s18 =	sor.u32 $0x10, s15  }
0x2e: {  	s14 =	smul.u32 $0x4080, s14;
	v1 =	vld [tilespmem:s18+$0x0]  }
0x2f: {  	s30 =	sand.u32 $0x1, s11;
	v0 =	vld [tilespmem:s18+$0xFFFFFFF0]  }
0x30: {  	s15 =	smul.u32 $0x4080, s30;
	s14 =	sshrl.u32 s14, $0x2  }
0x31: {  	s16 =	sor.u32 $0x2000, s14  }
0x32: {  	s31 =	sshrl.u32 s15, $0x2;
	s15 =	sadd.s32 $0x0, s16  }
0x33: {  	s17 =	simm.s32 $0x4;
	s18 =	sadd.s32 $0x20, s18;
	s14 =	sor.u32 $0x2000, s31;
	[tilespmem:s15+$0x810 ss:$0x81] =	vst.msk $0xffff, v1  }
.LBB1_3:
0x34: {  	v1 =	vld [tilespmem:s18+$0x0];
	p1 =	sne.s32 s17, $0x1FC;
	[tilespmem:s15+$0x0 ss:$0x81] =	vst.msk $0xffff, v0;
	s15 =	smov.u32 s17;
	s17 =	sadd.s32 $0x4, s17  }
.Ltmp3:
0x35: {  	v0 =	vld [tilespmem:s18+$0xFFFFFFF0];
	(pc) =	sbr.rel @p1 .LBB1_3-.Ltmp3, $4  }
0x36: {  	_ = 	snop  }
0x37: {  	s15 =	sshra.s32 s15, $0x2  }
0x38: {  	s15 =	sadd.s32 s15, s16  }
0x39: {  	s18 =	sadd.s32 $0x20, s18;
	[tilespmem:s15+$0x810 ss:$0x81] =	vst.msk $0xffff, v1  }
.Ltmp4:
0x3a: {  	_ = 	snop;
	(pc) =	sbr.rel .LBB1_4-.Ltmp4, $1  }
0x3b: {  	_ =	sdelay $0x3  }
.LBB1_6:
0x3c: {  	_ =	sfence.sel $0x180000  }
0x3d: {  	s2 =	simm.s32 $0x1;
	[bflag:$0x0] =	sbarrier.arrive $0xFFFF  }
0x3e: {  	s31 =	simm.s32 $0x2;
	[sflag:s2] =	ssyncpa.u1 $0x1  }
0x3f: {  	[sflag:s31] =	ssyncpa.u1 $0x1  }
0x40: {  	p0 =	sne.s32 s0, $0x0;
	_ =	strace $0x9000004A  }
0x41: {  	s0 =	sadd.s32 @!p0 $0x100000, s1;
	[bflag:$0x2] =	sbarrier.arrive $0xFFFF  }
0x42: {  	[sflag:s0] =	ssyncadd.tile.s32 @!p0 $0x1;
	_ =	shalt  }
.Lfunc_end1:
_tile_overlayer_lowered:
.L_overlay_start_2:
0x43: {  	(tag) =	ssettag $0x2  }
0x44: {  	s0 =	rddreg [dreg:$0x0];
	s2 =	stileid.u32  }
0x45: {  	s1 =	rddreg [dreg:$0x1];
	p0 =	sne.s32 s2, $0x0  }
0x46: {  	s3 =	rddreg [dreg:$0x2];
	[bflag:$0x3] =	sbarrier.arrive $0xFFFF;
	s2 =	simm.s32 @!p0 $0x1C01  }
0x47: {  	[timem:s3], [sflag:s2] =	dma.local @!p0 [hbm:s0], s1  }
0x48: {  	s0 =	simm.s32 @!p0 $0x1  }
0x49: {  	_ =	swait.ge @!p0 [sflag:s0], s1  }
0x4a: {  	s1 =	ssub.s32 @!p0 $0x0, s1;
	[sflag:s0] =	ssyncset.done @!p0 $0x0  }
0x4b: {  	[sflag:s0] =	ssyncadd.s32 @!p0 s1  }
0x4c: {  	[bflag:$0x3] =	sbarrier.arrive $0xFFFF  }
0x4d: {  	_ =	shalt  }

</sc_bundles>
